<compile_context>
chip_gen: v7x
topology: tpu7x:2x2x1
jax: 0.10.2.dev20260603
libtpu: 0.0.44.dev20260713+nightly
codegen_flags: <defaults>
</compile_context>

<pallas_src>
import functools

import jax
import jax.numpy as jnp
from jax import lax
from jax.experimental import pallas as pl
from jax.experimental.pallas import tpu as pltpu
from jax.experimental.pallas import tpu_sc as plsc

_CH = 128
_CBUF = 3
_SBUF = 4


@functools.lru_cache(maxsize=None)
def _gather_call(b, s, v, d):
    n = b * s
    info = plsc.get_sparse_core_info()
    nc, ns = info.num_cores, info.num_subcores
    nw = nc * ns
    b_per_w = n // nw
    n_ch = b_per_w // _CH
    cnb = min(_CBUF, n_ch)
    snb = min(_SBUF, n_ch)
    w_per_row = s // b_per_w
    mesh = plsc.VectorSubcoreMesh(core_axis_name="c", subcore_axis_name="s")

    @functools.partial(
        pl.kernel,
        mesh=mesh,
        out_type=[
            jax.ShapeDtypeStruct((b, s, d), jnp.float32),
            jax.ShapeDtypeStruct((b, s, d), jnp.float32),
        ],
        scratch_types=[
            pltpu.VMEM((b_per_w,), jnp.int32),
            pltpu.VMEM((cnb, _CH, d), jnp.float32),
            pltpu.VMEM((snb, _CH, d), jnp.float32),
        ]
        + [pltpu.SemaphoreType.DMA] * (2 * (cnb + snb)),
    )
    def k(cos_hbm, sin_hbm, idx_hbm, cos_out, sin_out, idx_v, cbuf, sbuf,
          *sems):
        cgs = sems[0:cnb]
        cws = sems[cnb:2 * cnb]
        sgs = sems[2 * cnb:2 * cnb + snb]
        sws = sems[2 * cnb + snb:]
        wid = lax.axis_index("s") * nc + lax.axis_index("c")
        row = wid // w_per_row
        col = (wid % w_per_row) * b_per_w
        pltpu.sync_copy(idx_hbm.at[row, pl.ds(col, b_per_w)], idx_v)

        def ix(i):
            return idx_v.at[pl.ds(i * _CH, _CH)]

        def dst(out, i):
            return out.at[row, pl.ds(col + i * _CH, _CH)]

        cg = [None] * n_ch
        sg = [None] * n_ch
        cw = [None] * n_ch
        sw = [None] * n_ch
        nb = max(cnb, snb)
        for j in range(nb):
            if j < cnb:
                cg[j] = pltpu.async_copy(cos_hbm.at[ix(j)], cbuf.at[j],
                                         cgs[j])
            if j < snb:
                sg[j] = pltpu.async_copy(sin_hbm.at[ix(j)], sbuf.at[j],
                                         sgs[j])
        for i in range(n_ch):
            cslot = i % cnb
            sslot = i % snb
            cg[i].wait()
            cw[i] = pltpu.async_copy(cbuf.at[cslot], dst(cos_out, i),
                                     cws[cslot])
            sg[i].wait()
            sw[i] = pltpu.async_copy(sbuf.at[sslot], dst(sin_out, i),
                                     sws[sslot])
            jc = i + cnb
            if jc < n_ch:
                cw[i].wait()
                cg[jc] = pltpu.async_copy(cos_hbm.at[ix(jc)],
                                          cbuf.at[jc % cnb], cgs[jc % cnb])
            js = i + snb
            if js < n_ch:
                sw[i].wait()
                sg[js] = pltpu.async_copy(sin_hbm.at[ix(js)],
                                          sbuf.at[js % snb], sgs[js % snb])
        for i in range(n_ch):
            if i >= n_ch - cnb:
                cw[i].wait()
            if i >= n_ch - snb:
                sw[i].wait()

    return k


def kernel(x, position_ids, cos_cached, sin_cached):
    del x
    b, s = position_ids.shape
    v, d = cos_cached.shape
    cos_o, sin_o = _gather_call(b, s, v, d)(cos_cached, sin_cached,
                                            position_ids.astype(jnp.int32))
    return cos_o, sin_o

# --- scband reference (transcript-rebuilt; emitter-appended) ---
"""Pipeline reference for scband-ya-rnrotary-embedding-8761733284177 (READ-ONLY COPY).

The authoritative reference and input builder live on the scoring server;
editing this copy changes nothing except your own understanding.
"""

import math
import jax, jax.numpy as jnp
import numpy as np

DIM = 128
BASE = 10000.0
MAX_POS = 131072
FACTOR = 4.0
BETA_FAST = 32
BETA_SLOW = 1
ORIG_MAX_POS = 32768


def _build_cache():
    inv_freq = 1.0 / BASE ** (np.arange(0, DIM, 2).astype(np.float32) / DIM)
    # YaRN frequency scaling (scaling_factor != 1.0)
    low_freq_factor = ORIG_MAX_POS / (2 * math.pi * BETA_SLOW)
    high_freq_factor = ORIG_MAX_POS / (2 * math.pi * BETA_FAST)
    freq = 1.0 / inv_freq
    smooth = (freq - low_freq_factor) / (high_freq_factor - low_freq_factor)
    smooth = np.clip(smooth, 0.0, 1.0)
    scaled_inv_freq = inv_freq / FACTOR
    inv_freq = (1.0 - smooth) * inv_freq + smooth * scaled_inv_freq
    t = np.arange(MAX_POS, dtype=np.float32)
    freqs = np.outer(t, inv_freq)
    emb = np.concatenate([freqs, freqs], axis=-1)
    return jnp.asarray(np.cos(emb), dtype=jnp.float32), jnp.asarray(np.sin(emb), dtype=jnp.float32)


def setup_inputs(seed: int = 0) -> dict:
    key = jax.random.key(seed)
    x = jax.random.normal(jax.random.fold_in(key, 0), (2, 8192, 4096), dtype=jnp.float32)
    position_ids = jnp.arange(2 * 8192).reshape(2, 8192)  # values < MAX_POS
    cos_cached, sin_cached = _build_cache()
    return {"x": x, "position_ids": position_ids, "cos_cached": cos_cached, "sin_cached": sin_cached}


def reference(x, position_ids, cos_cached, sin_cached):
    cos = jnp.take(cos_cached, position_ids, axis=0)
    sin = jnp.take(sin_cached, position_ids, axis=0)
    return (cos, sin)

if __name__ == "__main__":
    import jax
    _d = setup_inputs()
    print(jax.jit(kernel)(*tuple(_d.values())))

</pallas_src>

<mosaic_0001>
#map = affine_map<(d0, d1) -> (0, 0)>
#map1 = affine_map<(d0, d1) -> (0, 0, 0)>
module attributes {stable_mosaic.version = 14 : i64} {
  func.func @k(%arg0: i32, %arg1: i32, %arg2: memref<131072x128xf32, #tpu.memory_space<hbm>>, %arg3: memref<131072x128xf32, #tpu.memory_space<hbm>>, %arg4: memref<2x8192xi32, #tpu.memory_space<hbm>>, %arg5: memref<2x8192x128xf32, #tpu.memory_space<hbm>>, %arg6: memref<2x8192x128xf32, #tpu.memory_space<hbm>>, %arg7: memref<512xi32, #tpu.memory_space<vmem>>, %arg8: memref<3x128x128xf32, #tpu.memory_space<vmem>>, %arg9: memref<4x128x128xf32, #tpu.memory_space<vmem>>, %arg10: memref<!tpu.dma_semaphore, #tpu.memory_space<semaphore_mem>>, %arg11: memref<!tpu.dma_semaphore, #tpu.memory_space<semaphore_mem>>, %arg12: memref<!tpu.dma_semaphore, #tpu.memory_space<semaphore_mem>>, %arg13: memref<!tpu.dma_semaphore, #tpu.memory_space<semaphore_mem>>, %arg14: memref<!tpu.dma_semaphore, #tpu.memory_space<semaphore_mem>>, %arg15: memref<!tpu.dma_semaphore, #tpu.memory_space<semaphore_mem>>, %arg16: memref<!tpu.dma_semaphore, #tpu.memory_space<semaphore_mem>>, %arg17: memref<!tpu.dma_semaphore, #tpu.memory_space<semaphore_mem>>, %arg18: memref<!tpu.dma_semaphore, #tpu.memory_space<semaphore_mem>>, %arg19: memref<!tpu.dma_semaphore, #tpu.memory_space<semaphore_mem>>, %arg20: memref<!tpu.dma_semaphore, #tpu.memory_space<semaphore_mem>>, %arg21: memref<!tpu.dma_semaphore, #tpu.memory_space<semaphore_mem>>, %arg22: memref<!tpu.dma_semaphore, #tpu.memory_space<semaphore_mem>>, %arg23: memref<!tpu.dma_semaphore, #tpu.memory_space<semaphore_mem>>) attributes {dimension_semantics = [#tpu.dimension_semantics<core_parallel>, #tpu.dimension_semantics<subcore_parallel>], iteration_bounds = array<i64: 2, 16>, scalar_prefetch = 0 : i64, scratch_operands = 17 : i64, tpu.core_type = #tpu.core_type<sc_vector_subcore>, window_params = [{transform_indices = #map}, {transform_indices = #map}, {transform_indices = #map}, {transform_indices = #map1}, {transform_indices = #map1}]} {
    %mul3A = arith.constant 2 : i32
    %mul3A_0 = arith.muli %arg1, %mul3A : i32
    %add3A = arith.addi %mul3A_0, %arg0 : i32
    %jit3A = arith.constant 16 : i32
    %div3A = arith.divsi %add3A, %jit3A : i32
    %sign3A = arith.constant 0 : i32
    %sign3A_1 = arith.cmpi sgt, %add3A, %sign3A : i32
    %sign3A_2 = arith.extui %sign3A_1 : i1 to i32
    %sign3A_3 = arith.constant 0 : i32
    %sign3A_4 = arith.cmpi slt, %add3A, %sign3A_3 : i32
    %sign3A_5 = arith.extui %sign3A_4 : i1 to i32
    %sign3A_6 = arith.subi %sign3A_2, %sign3A_5 : i32
    %sign3A_7 = arith.constant 0 : i32
    %sign3A_8 = arith.cmpi sgt, %jit3A, %sign3A_7 : i32
    %sign3A_9 = arith.extui %sign3A_8 : i1 to i32
    %sign3A_10 = arith.constant 0 : i32
    %sign3A_11 = arith.cmpi slt, %jit3A, %sign3A_10 : i32
    %sign3A_12 = arith.extui %sign3A_11 : i1 to i32
    %sign3A_13 = arith.subi %sign3A_9, %sign3A_12 : i32
    %ne3A = arith.cmpi ne, %sign3A_6, %sign3A_13 : i32
    %rem3A = arith.remsi %add3A, %jit3A : i32
    %ne3A_14 = arith.constant 0 : i32
    %ne3A_15 = arith.cmpi ne, %rem3A, %ne3A_14 : i32
    %and3A = arith.andi %ne3A, %ne3A_15 : i1
    %sub3A = arith.constant 1 : i32
    %sub3A_16 = arith.subi %div3A, %sub3A : i32
    %select_n3A = arith.select %and3A, %sub3A_16, %div3A : i32
    %jit3A_17 = arith.constant 16 : i32
    %eq3A = arith.constant 0 : i32
    %eq3A_18 = arith.cmpi eq, %jit3A_17, %eq3A : i32
    %jit3A_19 = arith.constant 1 : i32
    %select_n3A_20 = arith.select %eq3A_18, %jit3A_19, %jit3A_17 : i32
    %rem3A_21 = arith.remsi %add3A, %select_n3A_20 : i32
    %ne3A_22 = arith.constant 0 : i32
    %ne3A_23 = arith.cmpi ne, %rem3A_21, %ne3A_22 : i32
    %lt3A = arith.constant 0 : i32
    %lt3A_24 = arith.cmpi slt, %rem3A_21, %lt3A : i32
    %lt3A_25 = arith.constant 0 : i32
    %lt3A_26 = arith.cmpi slt, %select_n3A_20, %lt3A_25 : i32
    %ne3A_27 = arith.xori %lt3A_24, %lt3A_26 : i1
    %and3A_28 = arith.andi %ne3A_27, %ne3A_23 : i1
    %add3A_29 = arith.addi %rem3A_21, %select_n3A_20 : i32
    %select_n3A_30 = arith.select %and3A_28, %add3A_29, %rem3A_21 : i32
    %mul3A_31 = arith.constant 512 : i32
    %mul3A_32 = arith.muli %select_n3A_30, %mul3A_31 : i32
    "tpu.region"() ({
      %run_scoped3A = tpu.sem_alloc : memref<!tpu.dma_semaphore, #tpu.memory_space<semaphore_mem>>
      %dma_start3A_447 = tpu.memref_slice %arg4[%select_n3A, %mul3A_32] : memref<2x8192xi32, #tpu.memory_space<hbm>> -> memref<1x512xi32, #tpu.memory_space<hbm>>
      %dma_start3A_448 = tpu.memref_squeeze %dma_start3A_447 : memref<1x512xi32, #tpu.memory_space<hbm>> -> memref<512xi32, #tpu.memory_space<hbm>>
      %dma_start3A_449 = tpu.memref_slice %arg4[%select_n3A, %mul3A_32] : memref<2x8192xi32, #tpu.memory_space<hbm>> -> memref<1x512xi32, #tpu.memory_space<hbm>>
      %dma_start3A_450 = tpu.memref_squeeze %dma_start3A_449 : memref<1x512xi32, #tpu.memory_space<hbm>> -> memref<512xi32, #tpu.memory_space<hbm>>
      tpu.enqueue_dma source(%dma_start3A_450 : memref<512xi32, #tpu.memory_space<hbm>>) target(%arg7 : memref<512xi32, #tpu.memory_space<vmem>>) target_semaphore(%run_scoped3A : memref<!tpu.dma_semaphore, #tpu.memory_space<semaphore_mem>>)
      %dma_wait3A_451 = tpu.memref_slice %arg4[%select_n3A, %mul3A_32] : memref<2x8192xi32, #tpu.memory_space<hbm>> -> memref<1x512xi32, #tpu.memory_space<hbm>>
      %dma_wait3A_452 = tpu.memref_squeeze %dma_wait3A_451 : memref<1x512xi32, #tpu.memory_space<hbm>> -> memref<512xi32, #tpu.memory_space<hbm>>
      %dma_wait3A_453 = tpu.memref_slice %arg4[%select_n3A, %mul3A_32] : memref<2x8192xi32, #tpu.memory_space<hbm>> -> memref<1x512xi32, #tpu.memory_space<hbm>>
      %dma_wait3A_454 = tpu.memref_squeeze %dma_wait3A_453 : memref<1x512xi32, #tpu.memory_space<hbm>> -> memref<512xi32, #tpu.memory_space<hbm>>
      tpu.wait_dma2 semaphore(%run_scoped3A : memref<!tpu.dma_semaphore, #tpu.memory_space<semaphore_mem>>) src(%dma_wait3A_454 : memref<512xi32, #tpu.memory_space<hbm>>) dst(%arg7 : memref<512xi32, #tpu.memory_space<vmem>>)
      tpu.yield
    }) : () -> ()
    %dma_start3A = arith.constant 0 : i32
    %dma_start3A_33 = arith.constant 0 : i32
    %dma_start3A_34 = arith.constant 0 : i32
    %dma_start3A_35 = tpu.memref_slice %arg8[%dma_start3A, %dma_start3A_33, %dma_start3A_34] : memref<3x128x128xf32, #tpu.memory_space<vmem>> -> memref<1x128x128xf32, #tpu.memory_space<vmem>>
    %dma_start3A_36 = tpu.memref_squeeze %dma_start3A_35 : memref<1x128x128xf32, #tpu.memory_space<vmem>> -> memref<128x128xf32, #tpu.memory_space<vmem>>
    %dma_start3A_37 = arith.constant 0 : i32
    %dma_start3A_38 = tpu.memref_slice %arg7[%dma_start3A_37] : memref<512xi32, #tpu.memory_space<vmem>> -> memref<128xi32, #tpu.memory_space<vmem>>
    %dma_start3A_39 = arith.constant 0 : i32
    %dma_start3A_40 = arith.constant 0 : i32
    %dma_start3A_41 = tpu.memref_slice %arg2[%dma_start3A_39, %dma_start3A_40] : memref<131072x128xf32, #tpu.memory_space<hbm>> -> memref<131072x128xf32, #tpu.memory_space<hbm>>
    tpu.enqueue_indirect_dma source(%dma_start3A_41 : memref<131072x128xf32, #tpu.memory_space<hbm>>) target(%dma_start3A_36 : memref<128x128xf32, #tpu.memory_space<vmem>>) offsets(%dma_start3A_38 : memref<128xi32, #tpu.memory_space<vmem>>) semaphore(%arg10 : memref<!tpu.dma_semaphore, #tpu.memory_space<semaphore_mem>>)
    %dma_start3A_42 = arith.constant 0 : i32
    %dma_start3A_43 = arith.constant 0 : i32
    %dma_start3A_44 = arith.constant 0 : i32
    %dma_start3A_45 = tpu.memref_slice %arg9[%dma_start3A_42, %dma_start3A_43, %dma_start3A_44] : memref<4x128x128xf32, #tpu.memory_space<vmem>> -> memref<1x128x128xf32, #tpu.memory_space<vmem>>
    %dma_start3A_46 = tpu.memref_squeeze %dma_start3A_45 : memref<1x128x128xf32, #tpu.memory_space<vmem>> -> memref<128x128xf32, #tpu.memory_space<vmem>>
    %dma_start3A_47 = arith.constant 0 : i32
    %dma_start3A_48 = tpu.memref_slice %arg7[%dma_start3A_47] : memref<512xi32, #tpu.memory_space<vmem>> -> memref<128xi32, #tpu.memory_space<vmem>>
    %dma_start3A_49 = arith.constant 0 : i32
    %dma_start3A_50 = arith.constant 0 : i32
    %dma_start3A_51 = tpu.memref_slice %arg3[%dma_start3A_49, %dma_start3A_50] : memref<131072x128xf32, #tpu.memory_space<hbm>> -> memref<131072x128xf32, #tpu.memory_space<hbm>>
    tpu.enqueue_indirect_dma source(%dma_start3A_51 : memref<131072x128xf32, #tpu.memory_space<hbm>>) target(%dma_start3A_46 : memref<128x128xf32, #tpu.memory_space<vmem>>) offsets(%dma_start3A_48 : memref<128xi32, #tpu.memory_space<vmem>>) semaphore(%arg16 : memref<!tpu.dma_semaphore, #tpu.memory_space<semaphore_mem>>)
    %dma_start3A_52 = arith.constant 1 : i32
    %dma_start3A_53 = arith.constant 0 : i32
    %dma_start3A_54 = arith.constant 0 : i32
    %dma_start3A_55 = tpu.memref_slice %arg8[%dma_start3A_52, %dma_start3A_53, %dma_start3A_54] : memref<3x128x128xf32, #tpu.memory_space<vmem>> -> memref<1x128x128xf32, #tpu.memory_space<vmem>>
    %dma_start3A_56 = tpu.memref_squeeze %dma_start3A_55 : memref<1x128x128xf32, #tpu.memory_space<vmem>> -> memref<128x128xf32, #tpu.memory_space<vmem>>
    %dma_start3A_57 = arith.constant 128 : i32
    %dma_start3A_58 = tpu.memref_slice %arg7[%dma_start3A_57] : memref<512xi32, #tpu.memory_space<vmem>> -> memref<128xi32, #tpu.memory_space<vmem>>
    %dma_start3A_59 = arith.constant 0 : i32
    %dma_start3A_60 = arith.constant 0 : i32
    %dma_start3A_61 = tpu.memref_slice %arg2[%dma_start3A_59, %dma_start3A_60] : memref<131072x128xf32, #tpu.memory_space<hbm>> -> memref<131072x128xf32, #tpu.memory_space<hbm>>
    tpu.enqueue_indirect_dma source(%dma_start3A_61 : memref<131072x128xf32, #tpu.memory_space<hbm>>) target(%dma_start3A_56 : memref<128x128xf32, #tpu.memory_space<vmem>>) offsets(%dma_start3A_58 : memref<128xi32, #tpu.memory_space<vmem>>) semaphore(%arg11 : memref<!tpu.dma_semaphore, #tpu.memory_space<semaphore_mem>>)
    %dma_start3A_62 = arith.constant 1 : i32
    %dma_start3A_63 = arith.constant 0 : i32
    %dma_start3A_64 = arith.constant 0 : i32
    %dma_start3A_65 = tpu.memref_slice %arg9[%dma_start3A_62, %dma_start3A_63, %dma_start3A_64] : memref<4x128x128xf32, #tpu.memory_space<vmem>> -> memref<1x128x128xf32, #tpu.memory_space<vmem>>
    %dma_start3A_66 = tpu.memref_squeeze %dma_start3A_65 : memref<1x128x128xf32, #tpu.memory_space<vmem>> -> memref<128x128xf32, #tpu.memory_space<vmem>>
    %dma_start3A_67 = arith.constant 128 : i32
    %dma_start3A_68 = tpu.memref_slice %arg7[%dma_start3A_67] : memref<512xi32, #tpu.memory_space<vmem>> -> memref<128xi32, #tpu.memory_space<vmem>>
    %dma_start3A_69 = arith.constant 0 : i32
    %dma_start3A_70 = arith.constant 0 : i32
    %dma_start3A_71 = tpu.memref_slice %arg3[%dma_start3A_69, %dma_start3A_70] : memref<131072x128xf32, #tpu.memory_space<hbm>> -> memref<131072x128xf32, #tpu.memory_space<hbm>>
    tpu.enqueue_indirect_dma source(%dma_start3A_71 : memref<131072x128xf32, #tpu.memory_space<hbm>>) target(%dma_start3A_66 : memref<128x128xf32, #tpu.memory_space<vmem>>) offsets(%dma_start3A_68 : memref<128xi32, #tpu.memory_space<vmem>>) semaphore(%arg17 : memref<!tpu.dma_semaphore, #tpu.memory_space<semaphore_mem>>)
    %dma_start3A_72 = arith.constant 2 : i32
    %dma_start3A_73 = arith.constant 0 : i32
    %dma_start3A_74 = arith.constant 0 : i32
    %dma_start3A_75 = tpu.memref_slice %arg8[%dma_start3A_72, %dma_start3A_73, %dma_start3A_74] : memref<3x128x128xf32, #tpu.memory_space<vmem>> -> memref<1x128x128xf32, #tpu.memory_space<vmem>>
    %dma_start3A_76 = tpu.memref_squeeze %dma_start3A_75 : memref<1x128x128xf32, #tpu.memory_space<vmem>> -> memref<128x128xf32, #tpu.memory_space<vmem>>
    %dma_start3A_77 = arith.constant 256 : i32
    %dma_start3A_78 = tpu.memref_slice %arg7[%dma_start3A_77] : memref<512xi32, #tpu.memory_space<vmem>> -> memref<128xi32, #tpu.memory_space<vmem>>
    %dma_start3A_79 = arith.constant 0 : i32
    %dma_start3A_80 = arith.constant 0 : i32
    %dma_start3A_81 = tpu.memref_slice %arg2[%dma_start3A_79, %dma_start3A_80] : memref<131072x128xf32, #tpu.memory_space<hbm>> -> memref<131072x128xf32, #tpu.memory_space<hbm>>
    tpu.enqueue_indirect_dma source(%dma_start3A_81 : memref<131072x128xf32, #tpu.memory_space<hbm>>) target(%dma_start3A_76 : memref<128x128xf32, #tpu.memory_space<vmem>>) offsets(%dma_start3A_78 : memref<128xi32, #tpu.memory_space<vmem>>) semaphore(%arg12 : memref<!tpu.dma_semaphore, #tpu.memory_space<semaphore_mem>>)
    %dma_start3A_82 = arith.constant 2 : i32
    %dma_start3A_83 = arith.constant 0 : i32
    %dma_start3A_84 = arith.constant 0 : i32
    %dma_start3A_85 = tpu.memref_slice %arg9[%dma_start3A_82, %dma_start3A_83, %dma_start3A_84] : memref<4x128x128xf32, #tpu.memory_space<vmem>> -> memref<1x128x128xf32, #tpu.memory_space<vmem>>
    %dma_start3A_86 = tpu.memref_squeeze %dma_start3A_85 : memref<1x128x128xf32, #tpu.memory_space<vmem>> -> memref<128x128xf32, #tpu.memory_space<vmem>>
    %dma_start3A_87 = arith.constant 256 : i32
    %dma_start3A_88 = tpu.memref_slice %arg7[%dma_start3A_87] : memref<512xi32, #tpu.memory_space<vmem>> -> memref<128xi32, #tpu.memory_space<vmem>>
    %dma_start3A_89 = arith.constant 0 : i32
    %dma_start3A_90 = arith.constant 0 : i32
    %dma_start3A_91 = tpu.memref_slice %arg3[%dma_start3A_89, %dma_start3A_90] : memref<131072x128xf32, #tpu.memory_space<hbm>> -> memref<131072x128xf32, #tpu.memory_space<hbm>>
    tpu.enqueue_indirect_dma source(%dma_start3A_91 : memref<131072x128xf32, #tpu.memory_space<hbm>>) target(%dma_start3A_86 : memref<128x128xf32, #tpu.memory_space<vmem>>) offsets(%dma_start3A_88 : memref<128xi32, #tpu.memory_space<vmem>>) semaphore(%arg18 : memref<!tpu.dma_semaphore, #tpu.memory_space<semaphore_mem>>)
    %dma_start3A_92 = arith.constant 3 : i32
    %dma_start3A_93 = arith.constant 0 : i32
    %dma_start3A_94 = arith.constant 0 : i32
    %dma_start3A_95 = tpu.memref_slice %arg9[%dma_start3A_92, %dma_start3A_93, %dma_start3A_94] : memref<4x128x128xf32, #tpu.memory_space<vmem>> -> memref<1x128x128xf32, #tpu.memory_space<vmem>>
    %dma_start3A_96 = tpu.memref_squeeze %dma_start3A_95 : memref<1x128x128xf32, #tpu.memory_space<vmem>> -> memref<128x128xf32, #tpu.memory_space<vmem>>
    %dma_start3A_97 = arith.constant 384 : i32
    %dma_start3A_98 = tpu.memref_slice %arg7[%dma_start3A_97] : memref<512xi32, #tpu.memory_space<vmem>> -> memref<128xi32, #tpu.memory_space<vmem>>
    %dma_start3A_99 = arith.constant 0 : i32
    %dma_start3A_100 = arith.constant 0 : i32
    %dma_start3A_101 = tpu.memref_slice %arg3[%dma_start3A_99, %dma_start3A_100] : memref<131072x128xf32, #tpu.memory_space<hbm>> -> memref<131072x128xf32, #tpu.memory_space<hbm>>
    tpu.enqueue_indirect_dma source(%dma_start3A_101 : memref<131072x128xf32, #tpu.memory_space<hbm>>) target(%dma_start3A_96 : memref<128x128xf32, #tpu.memory_space<vmem>>) offsets(%dma_start3A_98 : memref<128xi32, #tpu.memory_space<vmem>>) semaphore(%arg19 : memref<!tpu.dma_semaphore, #tpu.memory_space<semaphore_mem>>)
    %dma_wait3A = arith.constant 0 : i32
    %dma_wait3A_102 = arith.constant 0 : i32
    %dma_wait3A_103 = arith.constant 0 : i32
    %dma_wait3A_104 = tpu.memref_slice %arg8[%dma_wait3A, %dma_wait3A_102, %dma_wait3A_103] : memref<3x128x128xf32, #tpu.memory_space<vmem>> -> memref<1x128x128xf32, #tpu.memory_space<vmem>>
    %dma_wait3A_105 = tpu.memref_squeeze %dma_wait3A_104 : memref<1x128x128xf32, #tpu.memory_space<vmem>> -> memref<128x128xf32, #tpu.memory_space<vmem>>
    %dma_wait3A_106 = arith.constant 0 : i32
    %dma_wait3A_107 = tpu.memref_slice %arg7[%dma_wait3A_106] : memref<512xi32, #tpu.memory_space<vmem>> -> memref<128xi32, #tpu.memory_space<vmem>>
    %dma_wait3A_108 = arith.constant 0 : i32
    %dma_wait3A_109 = arith.constant 0 : i32
    %dma_wait3A_110 = tpu.memref_slice %arg2[%dma_wait3A_108, %dma_wait3A_109] : memref<131072x128xf32, #tpu.memory_space<hbm>> -> memref<131072x128xf32, #tpu.memory_space<hbm>>
    tpu.wait_indirect_dma semaphore(%arg10 : memref<!tpu.dma_semaphore, #tpu.memory_space<semaphore_mem>>) src(%dma_wait3A_110 : memref<131072x128xf32, #tpu.memory_space<hbm>>) dst(%dma_wait3A_105 : memref<128x128xf32, #tpu.memory_space<vmem>>)
    %add3A_111 = arith.constant 0 : i32
    %add3A_112 = arith.addi %mul3A_32, %add3A_111 : i32
    %dma_start3A_113 = arith.constant 0 : i32
    %dma_start3A_114 = arith.constant 0 : i32
    %dma_start3A_115 = arith.constant 0 : i32
    %dma_start3A_116 = tpu.memref_slice %arg8[%dma_start3A_113, %dma_start3A_114, %dma_start3A_115] : memref<3x128x128xf32, #tpu.memory_space<vmem>> -> memref<1x128x128xf32, #tpu.memory_space<vmem>>
    %dma_start3A_117 = tpu.memref_squeeze %dma_start3A_116 : memref<1x128x128xf32, #tpu.memory_space<vmem>> -> memref<128x128xf32, #tpu.memory_space<vmem>>
    %dma_start3A_118 = arith.constant 0 : i32
    %dma_start3A_119 = tpu.memref_slice %arg5[%select_n3A, %add3A_112, %dma_start3A_118] : memref<2x8192x128xf32, #tpu.memory_space<hbm>> -> memref<1x128x128xf32, #tpu.memory_space<hbm>>
    %dma_start3A_120 = tpu.memref_squeeze %dma_start3A_119 : memref<1x128x128xf32, #tpu.memory_space<hbm>> -> memref<128x128xf32, #tpu.memory_space<hbm>>
    %dma_start3A_121 = arith.constant 0 : i32
    %dma_start3A_122 = tpu.memref_slice %arg5[%select_n3A, %add3A_112, %dma_start3A_121] : memref<2x8192x128xf32, #tpu.memory_space<hbm>> -> memref<1x128x128xf32, #tpu.memory_space<hbm>>
    %dma_start3A_123 = tpu.memref_squeeze %dma_start3A_122 : memref<1x128x128xf32, #tpu.memory_space<hbm>> -> memref<128x128xf32, #tpu.memory_space<hbm>>
    %dma_start3A_124 = arith.constant 0 : i32
    %dma_start3A_125 = arith.constant 0 : i32
    %dma_start3A_126 = tpu.memref_slice %arg8[%dma_start3A_113, %dma_start3A_124, %dma_start3A_125] : memref<3x128x128xf32, #tpu.memory_space<vmem>> -> memref<1x128x128xf32, #tpu.memory_space<vmem>>
    %dma_start3A_127 = tpu.memref_squeeze %dma_start3A_126 : memref<1x128x128xf32, #tpu.memory_space<vmem>> -> memref<128x128xf32, #tpu.memory_space<vmem>>
    tpu.enqueue_dma source(%dma_start3A_127 : memref<128x128xf32, #tpu.memory_space<vmem>>) target(%dma_start3A_123 : memref<128x128xf32, #tpu.memory_space<hbm>>) target_semaphore(%arg13 : memref<!tpu.dma_semaphore, #tpu.memory_space<semaphore_mem>>)
    %dma_wait3A_128 = arith.constant 0 : i32
    %dma_wait3A_129 = arith.constant 0 : i32
    %dma_wait3A_130 = arith.constant 0 : i32
    %dma_wait3A_131 = tpu.memref_slice %arg9[%dma_wait3A_128, %dma_wait3A_129, %dma_wait3A_130] : memref<4x128x128xf32, #tpu.memory_space<vmem>> -> memref<1x128x128xf32, #tpu.memory_space<vmem>>
    %dma_wait3A_132 = tpu.memref_squeeze %dma_wait3A_131 : memref<1x128x128xf32, #tpu.memory_space<vmem>> -> memref<128x128xf32, #tpu.memory_space<vmem>>
    %dma_wait3A_133 = arith.constant 0 : i32
    %dma_wait3A_134 = tpu.memref_slice %arg7[%dma_wait3A_133] : memref<512xi32, #tpu.memory_space<vmem>> -> memref<128xi32, #tpu.memory_space<vmem>>
    %dma_wait3A_135 = arith.constant 0 : i32
    %dma_wait3A_136 = arith.constant 0 : i32
    %dma_wait3A_137 = tpu.memref_slice %arg3[%dma_wait3A_135, %dma_wait3A_136] : memref<131072x128xf32, #tpu.memory_space<hbm>> -> memref<131072x128xf32, #tpu.memory_space<hbm>>
    tpu.wait_indirect_dma semaphore(%arg16 : memref<!tpu.dma_semaphore, #tpu.memory_space<semaphore_mem>>) src(%dma_wait3A_137 : memref<131072x128xf32, #tpu.memory_space<hbm>>) dst(%dma_wait3A_132 : memref<128x128xf32, #tpu.memory_space<vmem>>)
    %add3A_138 = arith.constant 0 : i32
    %add3A_139 = arith.addi %mul3A_32, %add3A_138 : i32
    %dma_start3A_140 = arith.constant 0 : i32
    %dma_start3A_141 = arith.constant 0 : i32
    %dma_start3A_142 = arith.constant 0 : i32
    %dma_start3A_143 = tpu.memref_slice %arg9[%dma_start3A_140, %dma_start3A_141, %dma_start3A_142] : memref<4x128x128xf32, #tpu.memory_space<vmem>> -> memref<1x128x128xf32, #tpu.memory_space<vmem>>
    %dma_start3A_144 = tpu.memref_squeeze %dma_start3A_143 : memref<1x128x128xf32, #tpu.memory_space<vmem>> -> memref<128x128xf32, #tpu.memory_space<vmem>>
    %dma_start3A_145 = arith.constant 0 : i32
    %dma_start3A_146 = tpu.memref_slice %arg6[%select_n3A, %add3A_139, %dma_start3A_145] : memref<2x8192x128xf32, #tpu.memory_space<hbm>> -> memref<1x128x128xf32, #tpu.memory_space<hbm>>
    %dma_start3A_147 = tpu.memref_squeeze %dma_start3A_146 : memref<1x128x128xf32, #tpu.memory_space<hbm>> -> memref<128x128xf32, #tpu.memory_space<hbm>>
    %dma_start3A_148 = arith.constant 0 : i32
    %dma_start3A_149 = tpu.memref_slice %arg6[%select_n3A, %add3A_139, %dma_start3A_148] : memref<2x8192x128xf32, #tpu.memory_space<hbm>> -> memref<1x128x128xf32, #tpu.memory_space<hbm>>
    %dma_start3A_150 = tpu.memref_squeeze %dma_start3A_149 : memref<1x128x128xf32, #tpu.memory_space<hbm>> -> memref<128x128xf32, #tpu.memory_space<hbm>>
    %dma_start3A_151 = arith.constant 0 : i32
    %dma_start3A_152 = arith.constant 0 : i32
    %dma_start3A_153 = tpu.memref_slice %arg9[%dma_start3A_140, %dma_start3A_151, %dma_start3A_152] : memref<4x128x128xf32, #tpu.memory_space<vmem>> -> memref<1x128x128xf32, #tpu.memory_space<vmem>>
    %dma_start3A_154 = tpu.memref_squeeze %dma_start3A_153 : memref<1x128x128xf32, #tpu.memory_space<vmem>> -> memref<128x128xf32, #tpu.memory_space<vmem>>
    tpu.enqueue_dma source(%dma_start3A_154 : memref<128x128xf32, #tpu.memory_space<vmem>>) target(%dma_start3A_150 : memref<128x128xf32, #tpu.memory_space<hbm>>) target_semaphore(%arg20 : memref<!tpu.dma_semaphore, #tpu.memory_space<semaphore_mem>>)
    %dma_wait3A_155 = arith.constant 0 : i32
    %dma_wait3A_156 = arith.constant 0 : i32
    %dma_wait3A_157 = arith.constant 0 : i32
    %dma_wait3A_158 = tpu.memref_slice %arg8[%dma_wait3A_155, %dma_wait3A_156, %dma_wait3A_157] : memref<3x128x128xf32, #tpu.memory_space<vmem>> -> memref<1x128x128xf32, #tpu.memory_space<vmem>>
    %dma_wait3A_159 = tpu.memref_squeeze %dma_wait3A_158 : memref<1x128x128xf32, #tpu.memory_space<vmem>> -> memref<128x128xf32, #tpu.memory_space<vmem>>
    %dma_wait3A_160 = arith.constant 0 : i32
    %dma_wait3A_161 = tpu.memref_slice %arg5[%select_n3A, %add3A_112, %dma_wait3A_160] : memref<2x8192x128xf32, #tpu.memory_space<hbm>> -> memref<1x128x128xf32, #tpu.memory_space<hbm>>
    %dma_wait3A_162 = tpu.memref_squeeze %dma_wait3A_161 : memref<1x128x128xf32, #tpu.memory_space<hbm>> -> memref<128x128xf32, #tpu.memory_space<hbm>>
    %dma_wait3A_163 = arith.constant 0 : i32
    %dma_wait3A_164 = tpu.memref_slice %arg5[%select_n3A, %add3A_112, %dma_wait3A_163] : memref<2x8192x128xf32, #tpu.memory_space<hbm>> -> memref<1x128x128xf32, #tpu.memory_space<hbm>>
    %dma_wait3A_165 = tpu.memref_squeeze %dma_wait3A_164 : memref<1x128x128xf32, #tpu.memory_space<hbm>> -> memref<128x128xf32, #tpu.memory_space<hbm>>
    %dma_wait3A_166 = arith.constant 0 : i32
    %dma_wait3A_167 = arith.constant 0 : i32
    %dma_wait3A_168 = tpu.memref_slice %arg8[%dma_wait3A_155, %dma_wait3A_166, %dma_wait3A_167] : memref<3x128x128xf32, #tpu.memory_space<vmem>> -> memref<1x128x128xf32, #tpu.memory_space<vmem>>
    %dma_wait3A_169 = tpu.memref_squeeze %dma_wait3A_168 : memref<1x128x128xf32, #tpu.memory_space<vmem>> -> memref<128x128xf32, #tpu.memory_space<vmem>>
    tpu.wait_dma2 semaphore(%arg13 : memref<!tpu.dma_semaphore, #tpu.memory_space<semaphore_mem>>) src(%dma_wait3A_169 : memref<128x128xf32, #tpu.memory_space<vmem>>) dst(%dma_wait3A_165 : memref<128x128xf32, #tpu.memory_space<hbm>>)
    %dma_start3A_170 = arith.constant 0 : i32
    %dma_start3A_171 = arith.constant 0 : i32
    %dma_start3A_172 = arith.constant 0 : i32
    %dma_start3A_173 = tpu.memref_slice %arg8[%dma_start3A_170, %dma_start3A_171, %dma_start3A_172] : memref<3x128x128xf32, #tpu.memory_space<vmem>> -> memref<1x128x128xf32, #tpu.memory_space<vmem>>
    %dma_start3A_174 = tpu.memref_squeeze %dma_start3A_173 : memref<1x128x128xf32, #tpu.memory_space<vmem>> -> memref<128x128xf32, #tpu.memory_space<vmem>>
    %dma_start3A_175 = arith.constant 384 : i32
    %dma_start3A_176 = tpu.memref_slice %arg7[%dma_start3A_175] : memref<512xi32, #tpu.memory_space<vmem>> -> memref<128xi32, #tpu.memory_space<vmem>>
    %dma_start3A_177 = arith.constant 0 : i32
    %dma_start3A_178 = arith.constant 0 : i32
    %dma_start3A_179 = tpu.memref_slice %arg2[%dma_start3A_177, %dma_start3A_178] : memref<131072x128xf32, #tpu.memory_space<hbm>> -> memref<131072x128xf32, #tpu.memory_space<hbm>>
    tpu.enqueue_indirect_dma source(%dma_start3A_179 : memref<131072x128xf32, #tpu.memory_space<hbm>>) target(%dma_start3A_174 : memref<128x128xf32, #tpu.memory_space<vmem>>) offsets(%dma_start3A_176 : memref<128xi32, #tpu.memory_space<vmem>>) semaphore(%arg10 : memref<!tpu.dma_semaphore, #tpu.memory_space<semaphore_mem>>)
    %dma_wait3A_180 = arith.constant 1 : i32
    %dma_wait3A_181 = arith.constant 0 : i32
    %dma_wait3A_182 = arith.constant 0 : i32
    %dma_wait3A_183 = tpu.memref_slice %arg8[%dma_wait3A_180, %dma_wait3A_181, %dma_wait3A_182] : memref<3x128x128xf32, #tpu.memory_space<vmem>> -> memref<1x128x128xf32, #tpu.memory_space<vmem>>
    %dma_wait3A_184 = tpu.memref_squeeze %dma_wait3A_183 : memref<1x128x128xf32, #tpu.memory_space<vmem>> -> memref<128x128xf32, #tpu.memory_space<vmem>>
    %dma_wait3A_185 = arith.constant 128 : i32
    %dma_wait3A_186 = tpu.memref_slice %arg7[%dma_wait3A_185] : memref<512xi32, #tpu.memory_space<vmem>> -> memref<128xi32, #tpu.memory_space<vmem>>
    %dma_wait3A_187 = arith.constant 0 : i32
    %dma_wait3A_188 = arith.constant 0 : i32
    %dma_wait3A_189 = tpu.memref_slice %arg2[%dma_wait3A_187, %dma_wait3A_188] : memref<131072x128xf32, #tpu.memory_space<hbm>> -> memref<131072x128xf32, #tpu.memory_space<hbm>>
    tpu.wait_indirect_dma semaphore(%arg11 : memref<!tpu.dma_semaphore, #tpu.memory_space<semaphore_mem>>) src(%dma_wait3A_189 : memref<131072x128xf32, #tpu.memory_space<hbm>>) dst(%dma_wait3A_184 : memref<128x128xf32, #tpu.memory_space<vmem>>)
    %add3A_190 = arith.constant 128 : i32
    %add3A_191 = arith.addi %mul3A_32, %add3A_190 : i32
    %dma_start3A_192 = arith.constant 1 : i32
    %dma_start3A_193 = arith.constant 0 : i32
    %dma_start3A_194 = arith.constant 0 : i32
    %dma_start3A_195 = tpu.memref_slice %arg8[%dma_start3A_192, %dma_start3A_193, %dma_start3A_194] : memref<3x128x128xf32, #tpu.memory_space<vmem>> -> memref<1x128x128xf32, #tpu.memory_space<vmem>>
    %dma_start3A_196 = tpu.memref_squeeze %dma_start3A_195 : memref<1x128x128xf32, #tpu.memory_space<vmem>> -> memref<128x128xf32, #tpu.memory_space<vmem>>
    %dma_start3A_197 = arith.constant 0 : i32
    %dma_start3A_198 = tpu.memref_slice %arg5[%select_n3A, %add3A_191, %dma_start3A_197] : memref<2x8192x128xf32, #tpu.memory_space<hbm>> -> memref<1x128x128xf32, #tpu.memory_space<hbm>>
    %dma_start3A_199 = tpu.memref_squeeze %dma_start3A_198 : memref<1x128x128xf32, #tpu.memory_space<hbm>> -> memref<128x128xf32, #tpu.memory_space<hbm>>
    %dma_start3A_200 = arith.constant 0 : i32
    %dma_start3A_201 = tpu.memref_slice %arg5[%select_n3A, %add3A_191, %dma_start3A_200] : memref<2x8192x128xf32, #tpu.memory_space<hbm>> -> memref<1x128x128xf32, #tpu.memory_space<hbm>>
    %dma_start3A_202 = tpu.memref_squeeze %dma_start3A_201 : memref<1x128x128xf32, #tpu.memory_space<hbm>> -> memref<128x128xf32, #tpu.memory_space<hbm>>
    %dma_start3A_203 = arith.constant 0 : i32
    %dma_start3A_204 = arith.constant 0 : i32
    %dma_start3A_205 = tpu.memref_slice %arg8[%dma_start3A_192, %dma_start3A_203, %dma_start3A_204] : memref<3x128x128xf32, #tpu.memory_space<vmem>> -> memref<1x128x128xf32, #tpu.memory_space<vmem>>
    %dma_start3A_206 = tpu.memref_squeeze %dma_start3A_205 : memref<1x128x128xf32, #tpu.memory_space<vmem>> -> memref<128x128xf32, #tpu.memory_space<vmem>>
    tpu.enqueue_dma source(%dma_start3A_206 : memref<128x128xf32, #tpu.memory_space<vmem>>) target(%dma_start3A_202 : memref<128x128xf32, #tpu.memory_space<hbm>>) target_semaphore(%arg14 : memref<!tpu.dma_semaphore, #tpu.memory_space<semaphore_mem>>)
    %dma_wait3A_207 = arith.constant 1 : i32
    %dma_wait3A_208 = arith.constant 0 : i32
    %dma_wait3A_209 = arith.constant 0 : i32
    %dma_wait3A_210 = tpu.memref_slice %arg9[%dma_wait3A_207, %dma_wait3A_208, %dma_wait3A_209] : memref<4x128x128xf32, #tpu.memory_space<vmem>> -> memref<1x128x128xf32, #tpu.memory_space<vmem>>
    %dma_wait3A_211 = tpu.memref_squeeze %dma_wait3A_210 : memref<1x128x128xf32, #tpu.memory_space<vmem>> -> memref<128x128xf32, #tpu.memory_space<vmem>>
    %dma_wait3A_212 = arith.constant 128 : i32
    %dma_wait3A_213 = tpu.memref_slice %arg7[%dma_wait3A_212] : memref<512xi32, #tpu.memory_space<vmem>> -> memref<128xi32, #tpu.memory_space<vmem>>
    %dma_wait3A_214 = arith.constant 0 : i32
    %dma_wait3A_215 = arith.constant 0 : i32
    %dma_wait3A_216 = tpu.memref_slice %arg3[%dma_wait3A_214, %dma_wait3A_215] : memref<131072x128xf32, #tpu.memory_space<hbm>> -> memref<131072x128xf32, #tpu.memory_space<hbm>>
    tpu.wait_indirect_dma semaphore(%arg17 : memref<!tpu.dma_semaphore, #tpu.memory_space<semaphore_mem>>) src(%dma_wait3A_216 : memref<131072x128xf32, #tpu.memory_space<hbm>>) dst(%dma_wait3A_211 : memref<128x128xf32, #tpu.memory_space<vmem>>)
    %add3A_217 = arith.constant 128 : i32
    %add3A_218 = arith.addi %mul3A_32, %add3A_217 : i32
    %dma_start3A_219 = arith.constant 1 : i32
    %dma_start3A_220 = arith.constant 0 : i32
    %dma_start3A_221 = arith.constant 0 : i32
    %dma_start3A_222 = tpu.memref_slice %arg9[%dma_start3A_219, %dma_start3A_220, %dma_start3A_221] : memref<4x128x128xf32, #tpu.memory_space<vmem>> -> memref<1x128x128xf32, #tpu.memory_space<vmem>>
    %dma_start3A_223 = tpu.memref_squeeze %dma_start3A_222 : memref<1x128x128xf32, #tpu.memory_space<vmem>> -> memref<128x128xf32, #tpu.memory_space<vmem>>
    %dma_start3A_224 = arith.constant 0 : i32
    %dma_start3A_225 = tpu.memref_slice %arg6[%select_n3A, %add3A_218, %dma_start3A_224] : memref<2x8192x128xf32, #tpu.memory_space<hbm>> -> memref<1x128x128xf32, #tpu.memory_space<hbm>>
    %dma_start3A_226 = tpu.memref_squeeze %dma_start3A_225 : memref<1x128x128xf32, #tpu.memory_space<hbm>> -> memref<128x128xf32, #tpu.memory_space<hbm>>
    %dma_start3A_227 = arith.constant 0 : i32
    %dma_start3A_228 = tpu.memref_slice %arg6[%select_n3A, %add3A_218, %dma_start3A_227] : memref<2x8192x128xf32, #tpu.memory_space<hbm>> -> memref<1x128x128xf32, #tpu.memory_space<hbm>>
    %dma_start3A_229 = tpu.memref_squeeze %dma_start3A_228 : memref<1x128x128xf32, #tpu.memory_space<hbm>> -> memref<128x128xf32, #tpu.memory_space<hbm>>
    %dma_start3A_230 = arith.constant 0 : i32
    %dma_start3A_231 = arith.constant 0 : i32
    %dma_start3A_232 = tpu.memref_slice %arg9[%dma_start3A_219, %dma_start3A_230, %dma_start3A_231] : memref<4x128x128xf32, #tpu.memory_space<vmem>> -> memref<1x128x128xf32, #tpu.memory_space<vmem>>
    %dma_start3A_233 = tpu.memref_squeeze %dma_start3A_232 : memref<1x128x128xf32, #tpu.memory_space<vmem>> -> memref<128x128xf32, #tpu.memory_space<vmem>>
    tpu.enqueue_dma source(%dma_start3A_233 : memref<128x128xf32, #tpu.memory_space<vmem>>) target(%dma_start3A_229 : memref<128x128xf32, #tpu.memory_space<hbm>>) target_semaphore(%arg21 : memref<!tpu.dma_semaphore, #tpu.memory_space<semaphore_mem>>)
    %dma_wait3A_234 = arith.constant 2 : i32
    %dma_wait3A_235 = arith.constant 0 : i32
    %dma_wait3A_236 = arith.constant 0 : i32
    %dma_wait3A_237 = tpu.memref_slice %arg8[%dma_wait3A_234, %dma_wait3A_235, %dma_wait3A_236] : memref<3x128x128xf32, #tpu.memory_space<vmem>> -> memref<1x128x128xf32, #tpu.memory_space<vmem>>
    %dma_wait3A_238 = tpu.memref_squeeze %dma_wait3A_237 : memref<1x128x128xf32, #tpu.memory_space<vmem>> -> memref<128x128xf32, #tpu.memory_space<vmem>>
    %dma_wait3A_239 = arith.constant 256 : i32
    %dma_wait3A_240 = tpu.memref_slice %arg7[%dma_wait3A_239] : memref<512xi32, #tpu.memory_space<vmem>> -> memref<128xi32, #tpu.memory_space<vmem>>
    %dma_wait3A_241 = arith.constant 0 : i32
    %dma_wait3A_242 = arith.constant 0 : i32
    %dma_wait3A_243 = tpu.memref_slice %arg2[%dma_wait3A_241, %dma_wait3A_242] : memref<131072x128xf32, #tpu.memory_space<hbm>> -> memref<131072x128xf32, #tpu.memory_space<hbm>>
    tpu.wait_indirect_dma semaphore(%arg12 : memref<!tpu.dma_semaphore, #tpu.memory_space<semaphore_mem>>) src(%dma_wait3A_243 : memref<131072x128xf32, #tpu.memory_space<hbm>>) dst(%dma_wait3A_238 : memref<128x128xf32, #tpu.memory_space<vmem>>)
    %add3A_244 = arith.constant 256 : i32
    %add3A_245 = arith.addi %mul3A_32, %add3A_244 : i32
    %dma_start3A_246 = arith.constant 2 : i32
    %dma_start3A_247 = arith.constant 0 : i32
    %dma_start3A_248 = arith.constant 0 : i32
    %dma_start3A_249 = tpu.memref_slice %arg8[%dma_start3A_246, %dma_start3A_247, %dma_start3A_248] : memref<3x128x128xf32, #tpu.memory_space<vmem>> -> memref<1x128x128xf32, #tpu.memory_space<vmem>>
    %dma_start3A_250 = tpu.memref_squeeze %dma_start3A_249 : memref<1x128x128xf32, #tpu.memory_space<vmem>> -> memref<128x128xf32, #tpu.memory_space<vmem>>
    %dma_start3A_251 = arith.constant 0 : i32
    %dma_start3A_252 = tpu.memref_slice %arg5[%select_n3A, %add3A_245, %dma_start3A_251] : memref<2x8192x128xf32, #tpu.memory_space<hbm>> -> memref<1x128x128xf32, #tpu.memory_space<hbm>>
    %dma_start3A_253 = tpu.memref_squeeze %dma_start3A_252 : memref<1x128x128xf32, #tpu.memory_space<hbm>> -> memref<128x128xf32, #tpu.memory_space<hbm>>
    %dma_start3A_254 = arith.constant 0 : i32
    %dma_start3A_255 = tpu.memref_slice %arg5[%select_n3A, %add3A_245, %dma_start3A_254] : memref<2x8192x128xf32, #tpu.memory_space<hbm>> -> memref<1x128x128xf32, #tpu.memory_space<hbm>>
    %dma_start3A_256 = tpu.memref_squeeze %dma_start3A_255 : memref<1x128x128xf32, #tpu.memory_space<hbm>> -> memref<128x128xf32, #tpu.memory_space<hbm>>
    %dma_start3A_257 = arith.constant 0 : i32
    %dma_start3A_258 = arith.constant 0 : i32
    %dma_start3A_259 = tpu.memref_slice %arg8[%dma_start3A_246, %dma_start3A_257, %dma_start3A_258] : memref<3x128x128xf32, #tpu.memory_space<vmem>> -> memref<1x128x128xf32, #tpu.memory_space<vmem>>
    %dma_start3A_260 = tpu.memref_squeeze %dma_start3A_259 : memref<1x128x128xf32, #tpu.memory_space<vmem>> -> memref<128x128xf32, #tpu.memory_space<vmem>>
    tpu.enqueue_dma source(%dma_start3A_260 : memref<128x128xf32, #tpu.memory_space<vmem>>) target(%dma_start3A_256 : memref<128x128xf32, #tpu.memory_space<hbm>>) target_semaphore(%arg15 : memref<!tpu.dma_semaphore, #tpu.memory_space<semaphore_mem>>)
    %dma_wait3A_261 = arith.constant 2 : i32
    %dma_wait3A_262 = arith.constant 0 : i32
    %dma_wait3A_263 = arith.constant 0 : i32
    %dma_wait3A_264 = tpu.memref_slice %arg9[%dma_wait3A_261, %dma_wait3A_262, %dma_wait3A_263] : memref<4x128x128xf32, #tpu.memory_space<vmem>> -> memref<1x128x128xf32, #tpu.memory_space<vmem>>
    %dma_wait3A_265 = tpu.memref_squeeze %dma_wait3A_264 : memref<1x128x128xf32, #tpu.memory_space<vmem>> -> memref<128x128xf32, #tpu.memory_space<vmem>>
    %dma_wait3A_266 = arith.constant 256 : i32
    %dma_wait3A_267 = tpu.memref_slice %arg7[%dma_wait3A_266] : memref<512xi32, #tpu.memory_space<vmem>> -> memref<128xi32, #tpu.memory_space<vmem>>
    %dma_wait3A_268 = arith.constant 0 : i32
    %dma_wait3A_269 = arith.constant 0 : i32
    %dma_wait3A_270 = tpu.memref_slice %arg3[%dma_wait3A_268, %dma_wait3A_269] : memref<131072x128xf32, #tpu.memory_space<hbm>> -> memref<131072x128xf32, #tpu.memory_space<hbm>>
    tpu.wait_indirect_dma semaphore(%arg18 : memref<!tpu.dma_semaphore, #tpu.memory_space<semaphore_mem>>) src(%dma_wait3A_270 : memref<131072x128xf32, #tpu.memory_space<hbm>>) dst(%dma_wait3A_265 : memref<128x128xf32, #tpu.memory_space<vmem>>)
    %add3A_271 = arith.constant 256 : i32
    %add3A_272 = arith.addi %mul3A_32, %add3A_271 : i32
    %dma_start3A_273 = arith.constant 2 : i32
    %dma_start3A_274 = arith.constant 0 : i32
    %dma_start3A_275 = arith.constant 0 : i32
    %dma_start3A_276 = tpu.memref_slice %arg9[%dma_start3A_273, %dma_start3A_274, %dma_start3A_275] : memref<4x128x128xf32, #tpu.memory_space<vmem>> -> memref<1x128x128xf32, #tpu.memory_space<vmem>>
    %dma_start3A_277 = tpu.memref_squeeze %dma_start3A_276 : memref<1x128x128xf32, #tpu.memory_space<vmem>> -> memref<128x128xf32, #tpu.memory_space<vmem>>
    %dma_start3A_278 = arith.constant 0 : i32
    %dma_start3A_279 = tpu.memref_slice %arg6[%select_n3A, %add3A_272, %dma_start3A_278] : memref<2x8192x128xf32, #tpu.memory_space<hbm>> -> memref<1x128x128xf32, #tpu.memory_space<hbm>>
    %dma_start3A_280 = tpu.memref_squeeze %dma_start3A_279 : memref<1x128x128xf32, #tpu.memory_space<hbm>> -> memref<128x128xf32, #tpu.memory_space<hbm>>
    %dma_start3A_281 = arith.constant 0 : i32
    %dma_start3A_282 = tpu.memref_slice %arg6[%select_n3A, %add3A_272, %dma_start3A_281] : memref<2x8192x128xf32, #tpu.memory_space<hbm>> -> memref<1x128x128xf32, #tpu.memory_space<hbm>>
    %dma_start3A_283 = tpu.memref_squeeze %dma_start3A_282 : memref<1x128x128xf32, #tpu.memory_space<hbm>> -> memref<128x128xf32, #tpu.memory_space<hbm>>
    %dma_start3A_284 = arith.constant 0 : i32
    %dma_start3A_285 = arith.constant 0 : i32
    %dma_start3A_286 = tpu.memref_slice %arg9[%dma_start3A_273, %dma_start3A_284, %dma_start3A_285] : memref<4x128x128xf32, #tpu.memory_space<vmem>> -> memref<1x128x128xf32, #tpu.memory_space<vmem>>
    %dma_start3A_287 = tpu.memref_squeeze %dma_start3A_286 : memref<1x128x128xf32, #tpu.memory_space<vmem>> -> memref<128x128xf32, #tpu.memory_space<vmem>>
    tpu.enqueue_dma source(%dma_start3A_287 : memref<128x128xf32, #tpu.memory_space<vmem>>) target(%dma_start3A_283 : memref<128x128xf32, #tpu.memory_space<hbm>>) target_semaphore(%arg22 : memref<!tpu.dma_semaphore, #tpu.memory_space<semaphore_mem>>)
    %dma_wait3A_288 = arith.constant 0 : i32
    %dma_wait3A_289 = arith.constant 0 : i32
    %dma_wait3A_290 = arith.constant 0 : i32
    %dma_wait3A_291 = tpu.memref_slice %arg8[%dma_wait3A_288, %dma_wait3A_289, %dma_wait3A_290] : memref<3x128x128xf32, #tpu.memory_space<vmem>> -> memref<1x128x128xf32, #tpu.memory_space<vmem>>
    %dma_wait3A_292 = tpu.memref_squeeze %dma_wait3A_291 : memref<1x128x128xf32, #tpu.memory_space<vmem>> -> memref<128x128xf32, #tpu.memory_space<vmem>>
    %dma_wait3A_293 = arith.constant 384 : i32
    %dma_wait3A_294 = tpu.memref_slice %arg7[%dma_wait3A_293] : memref<512xi32, #tpu.memory_space<vmem>> -> memref<128xi32, #tpu.memory_space<vmem>>
    %dma_wait3A_295 = arith.constant 0 : i32
    %dma_wait3A_296 = arith.constant 0 : i32
    %dma_wait3A_297 = tpu.memref_slice %arg2[%dma_wait3A_295, %dma_wait3A_296] : memref<131072x128xf32, #tpu.memory_space<hbm>> -> memref<131072x128xf32, #tpu.memory_space<hbm>>
    tpu.wait_indirect_dma semaphore(%arg10 : memref<!tpu.dma_semaphore, #tpu.memory_space<semaphore_mem>>) src(%dma_wait3A_297 : memref<131072x128xf32, #tpu.memory_space<hbm>>) dst(%dma_wait3A_292 : memref<128x128xf32, #tpu.memory_space<vmem>>)
    %add3A_298 = arith.constant 384 : i32
    %add3A_299 = arith.addi %mul3A_32, %add3A_298 : i32
    %dma_start3A_300 = arith.constant 0 : i32
    %dma_start3A_301 = arith.constant 0 : i32
    %dma_start3A_302 = arith.constant 0 : i32
    %dma_start3A_303 = tpu.memref_slice %arg8[%dma_start3A_300, %dma_start3A_301, %dma_start3A_302] : memref<3x128x128xf32, #tpu.memory_space<vmem>> -> memref<1x128x128xf32, #tpu.memory_space<vmem>>
    %dma_start3A_304 = tpu.memref_squeeze %dma_start3A_303 : memref<1x128x128xf32, #tpu.memory_space<vmem>> -> memref<128x128xf32, #tpu.memory_space<vmem>>
    %dma_start3A_305 = arith.constant 0 : i32
    %dma_start3A_306 = tpu.memref_slice %arg5[%select_n3A, %add3A_299, %dma_start3A_305] : memref<2x8192x128xf32, #tpu.memory_space<hbm>> -> memref<1x128x128xf32, #tpu.memory_space<hbm>>
    %dma_start3A_307 = tpu.memref_squeeze %dma_start3A_306 : memref<1x128x128xf32, #tpu.memory_space<hbm>> -> memref<128x128xf32, #tpu.memory_space<hbm>>
    %dma_start3A_308 = arith.constant 0 : i32
    %dma_start3A_309 = tpu.memref_slice %arg5[%select_n3A, %add3A_299, %dma_start3A_308] : memref<2x8192x128xf32, #tpu.memory_space<hbm>> -> memref<1x128x128xf32, #tpu.memory_space<hbm>>
    %dma_start3A_310 = tpu.memref_squeeze %dma_start3A_309 : memref<1x128x128xf32, #tpu.memory_space<hbm>> -> memref<128x128xf32, #tpu.memory_space<hbm>>
    %dma_start3A_311 = arith.constant 0 : i32
    %dma_start3A_312 = arith.constant 0 : i32
    %dma_start3A_313 = tpu.memref_slice %arg8[%dma_start3A_300, %dma_start3A_311, %dma_start3A_312] : memref<3x128x128xf32, #tpu.memory_space<vmem>> -> memref<1x128x128xf32, #tpu.memory_space<vmem>>
    %dma_start3A_314 = tpu.memref_squeeze %dma_start3A_313 : memref<1x128x128xf32, #tpu.memory_space<vmem>> -> memref<128x128xf32, #tpu.memory_space<vmem>>
    tpu.enqueue_dma source(%dma_start3A_314 : memref<128x128xf32, #tpu.memory_space<vmem>>) target(%dma_start3A_310 : memref<128x128xf32, #tpu.memory_space<hbm>>) target_semaphore(%arg13 : memref<!tpu.dma_semaphore, #tpu.memory_space<semaphore_mem>>)
    %dma_wait3A_315 = arith.constant 3 : i32
    %dma_wait3A_316 = arith.constant 0 : i32
    %dma_wait3A_317 = arith.constant 0 : i32
    %dma_wait3A_318 = tpu.memref_slice %arg9[%dma_wait3A_315, %dma_wait3A_316, %dma_wait3A_317] : memref<4x128x128xf32, #tpu.memory_space<vmem>> -> memref<1x128x128xf32, #tpu.memory_space<vmem>>
    %dma_wait3A_319 = tpu.memref_squeeze %dma_wait3A_318 : memref<1x128x128xf32, #tpu.memory_space<vmem>> -> memref<128x128xf32, #tpu.memory_space<vmem>>
    %dma_wait3A_320 = arith.constant 384 : i32
    %dma_wait3A_321 = tpu.memref_slice %arg7[%dma_wait3A_320] : memref<512xi32, #tpu.memory_space<vmem>> -> memref<128xi32, #tpu.memory_space<vmem>>
    %dma_wait3A_322 = arith.constant 0 : i32
    %dma_wait3A_323 = arith.constant 0 : i32
    %dma_wait3A_324 = tpu.memref_slice %arg3[%dma_wait3A_322, %dma_wait3A_323] : memref<131072x128xf32, #tpu.memory_space<hbm>> -> memref<131072x128xf32, #tpu.memory_space<hbm>>
    tpu.wait_indirect_dma semaphore(%arg19 : memref<!tpu.dma_semaphore, #tpu.memory_space<semaphore_mem>>) src(%dma_wait3A_324 : memref<131072x128xf32, #tpu.memory_space<hbm>>) dst(%dma_wait3A_319 : memref<128x128xf32, #tpu.memory_space<vmem>>)
    %add3A_325 = arith.constant 384 : i32
    %add3A_326 = arith.addi %mul3A_32, %add3A_325 : i32
    %dma_start3A_327 = arith.constant 3 : i32
    %dma_start3A_328 = arith.constant 0 : i32
    %dma_start3A_329 = arith.constant 0 : i32
    %dma_start3A_330 = tpu.memref_slice %arg9[%dma_start3A_327, %dma_start3A_328, %dma_start3A_329] : memref<4x128x128xf32, #tpu.memory_space<vmem>> -> memref<1x128x128xf32, #tpu.memory_space<vmem>>
    %dma_start3A_331 = tpu.memref_squeeze %dma_start3A_330 : memref<1x128x128xf32, #tpu.memory_space<vmem>> -> memref<128x128xf32, #tpu.memory_space<vmem>>
    %dma_start3A_332 = arith.constant 0 : i32
    %dma_start3A_333 = tpu.memref_slice %arg6[%select_n3A, %add3A_326, %dma_start3A_332] : memref<2x8192x128xf32, #tpu.memory_space<hbm>> -> memref<1x128x128xf32, #tpu.memory_space<hbm>>
    %dma_start3A_334 = tpu.memref_squeeze %dma_start3A_333 : memref<1x128x128xf32, #tpu.memory_space<hbm>> -> memref<128x128xf32, #tpu.memory_space<hbm>>
    %dma_start3A_335 = arith.constant 0 : i32
    %dma_start3A_336 = tpu.memref_slice %arg6[%select_n3A, %add3A_326, %dma_start3A_335] : memref<2x8192x128xf32, #tpu.memory_space<hbm>> -> memref<1x128x128xf32, #tpu.memory_space<hbm>>
    %dma_start3A_337 = tpu.memref_squeeze %dma_start3A_336 : memref<1x128x128xf32, #tpu.memory_space<hbm>> -> memref<128x128xf32, #tpu.memory_space<hbm>>
    %dma_start3A_338 = arith.constant 0 : i32
    %dma_start3A_339 = arith.constant 0 : i32
    %dma_start3A_340 = tpu.memref_slice %arg9[%dma_start3A_327, %dma_start3A_338, %dma_start3A_339] : memref<4x128x128xf32, #tpu.memory_space<vmem>> -> memref<1x128x128xf32, #tpu.memory_space<vmem>>
    %dma_start3A_341 = tpu.memref_squeeze %dma_start3A_340 : memref<1x128x128xf32, #tpu.memory_space<vmem>> -> memref<128x128xf32, #tpu.memory_space<vmem>>
    tpu.enqueue_dma source(%dma_start3A_341 : memref<128x128xf32, #tpu.memory_space<vmem>>) target(%dma_start3A_337 : memref<128x128xf32, #tpu.memory_space<hbm>>) target_semaphore(%arg23 : memref<!tpu.dma_semaphore, #tpu.memory_space<semaphore_mem>>)
    %dma_wait3A_342 = arith.constant 0 : i32
    %dma_wait3A_343 = arith.constant 0 : i32
    %dma_wait3A_344 = arith.constant 0 : i32
    %dma_wait3A_345 = tpu.memref_slice %arg9[%dma_wait3A_342, %dma_wait3A_343, %dma_wait3A_344] : memref<4x128x128xf32, #tpu.memory_space<vmem>> -> memref<1x128x128xf32, #tpu.memory_space<vmem>>
    %dma_wait3A_346 = tpu.memref_squeeze %dma_wait3A_345 : memref<1x128x128xf32, #tpu.memory_space<vmem>> -> memref<128x128xf32, #tpu.memory_space<vmem>>
    %dma_wait3A_347 = arith.constant 0 : i32
    %dma_wait3A_348 = tpu.memref_slice %arg6[%select_n3A, %add3A_139, %dma_wait3A_347] : memref<2x8192x128xf32, #tpu.memory_space<hbm>> -> memref<1x128x128xf32, #tpu.memory_space<hbm>>
    %dma_wait3A_349 = tpu.memref_squeeze %dma_wait3A_348 : memref<1x128x128xf32, #tpu.memory_space<hbm>> -> memref<128x128xf32, #tpu.memory_space<hbm>>
    %dma_wait3A_350 = arith.constant 0 : i32
    %dma_wait3A_351 = tpu.memref_slice %arg6[%select_n3A, %add3A_139, %dma_wait3A_350] : memref<2x8192x128xf32, #tpu.memory_space<hbm>> -> memref<1x128x128xf32, #tpu.memory_space<hbm>>
    %dma_wait3A_352 = tpu.memref_squeeze %dma_wait3A_351 : memref<1x128x128xf32, #tpu.memory_space<hbm>> -> memref<128x128xf32, #tpu.memory_space<hbm>>
    %dma_wait3A_353 = arith.constant 0 : i32
    %dma_wait3A_354 = arith.constant 0 : i32
    %dma_wait3A_355 = tpu.memref_slice %arg9[%dma_wait3A_342, %dma_wait3A_353, %dma_wait3A_354] : memref<4x128x128xf32, #tpu.memory_space<vmem>> -> memref<1x128x128xf32, #tpu.memory_space<vmem>>
    %dma_wait3A_356 = tpu.memref_squeeze %dma_wait3A_355 : memref<1x128x128xf32, #tpu.memory_space<vmem>> -> memref<128x128xf32, #tpu.memory_space<vmem>>
    tpu.wait_dma2 semaphore(%arg20 : memref<!tpu.dma_semaphore, #tpu.memory_space<semaphore_mem>>) src(%dma_wait3A_356 : memref<128x128xf32, #tpu.memory_space<vmem>>) dst(%dma_wait3A_352 : memref<128x128xf32, #tpu.memory_space<hbm>>)
    %dma_wait3A_357 = arith.constant 1 : i32
    %dma_wait3A_358 = arith.constant 0 : i32
    %dma_wait3A_359 = arith.constant 0 : i32
    %dma_wait3A_360 = tpu.memref_slice %arg8[%dma_wait3A_357, %dma_wait3A_358, %dma_wait3A_359] : memref<3x128x128xf32, #tpu.memory_space<vmem>> -> memref<1x128x128xf32, #tpu.memory_space<vmem>>
    %dma_wait3A_361 = tpu.memref_squeeze %dma_wait3A_360 : memref<1x128x128xf32, #tpu.memory_space<vmem>> -> memref<128x128xf32, #tpu.memory_space<vmem>>
    %dma_wait3A_362 = arith.constant 0 : i32
    %dma_wait3A_363 = tpu.memref_slice %arg5[%select_n3A, %add3A_191, %dma_wait3A_362] : memref<2x8192x128xf32, #tpu.memory_space<hbm>> -> memref<1x128x128xf32, #tpu.memory_space<hbm>>
    %dma_wait3A_364 = tpu.memref_squeeze %dma_wait3A_363 : memref<1x128x128xf32, #tpu.memory_space<hbm>> -> memref<128x128xf32, #tpu.memory_space<hbm>>
    %dma_wait3A_365 = arith.constant 0 : i32
    %dma_wait3A_366 = tpu.memref_slice %arg5[%select_n3A, %add3A_191, %dma_wait3A_365] : memref<2x8192x128xf32, #tpu.memory_space<hbm>> -> memref<1x128x128xf32, #tpu.memory_space<hbm>>
    %dma_wait3A_367 = tpu.memref_squeeze %dma_wait3A_366 : memref<1x128x128xf32, #tpu.memory_space<hbm>> -> memref<128x128xf32, #tpu.memory_space<hbm>>
    %dma_wait3A_368 = arith.constant 0 : i32
    %dma_wait3A_369 = arith.constant 0 : i32
    %dma_wait3A_370 = tpu.memref_slice %arg8[%dma_wait3A_357, %dma_wait3A_368, %dma_wait3A_369] : memref<3x128x128xf32, #tpu.memory_space<vmem>> -> memref<1x128x128xf32, #tpu.memory_space<vmem>>
    %dma_wait3A_371 = tpu.memref_squeeze %dma_wait3A_370 : memref<1x128x128xf32, #tpu.memory_space<vmem>> -> memref<128x128xf32, #tpu.memory_space<vmem>>
    tpu.wait_dma2 semaphore(%arg14 : memref<!tpu.dma_semaphore, #tpu.memory_space<semaphore_mem>>) src(%dma_wait3A_371 : memref<128x128xf32, #tpu.memory_space<vmem>>) dst(%dma_wait3A_367 : memref<128x128xf32, #tpu.memory_space<hbm>>)
    %dma_wait3A_372 = arith.constant 1 : i32
    %dma_wait3A_373 = arith.constant 0 : i32
    %dma_wait3A_374 = arith.constant 0 : i32
    %dma_wait3A_375 = tpu.memref_slice %arg9[%dma_wait3A_372, %dma_wait3A_373, %dma_wait3A_374] : memref<4x128x128xf32, #tpu.memory_space<vmem>> -> memref<1x128x128xf32, #tpu.memory_space<vmem>>
    %dma_wait3A_376 = tpu.memref_squeeze %dma_wait3A_375 : memref<1x128x128xf32, #tpu.memory_space<vmem>> -> memref<128x128xf32, #tpu.memory_space<vmem>>
    %dma_wait3A_377 = arith.constant 0 : i32
    %dma_wait3A_378 = tpu.memref_slice %arg6[%select_n3A, %add3A_218, %dma_wait3A_377] : memref<2x8192x128xf32, #tpu.memory_space<hbm>> -> memref<1x128x128xf32, #tpu.memory_space<hbm>>
    %dma_wait3A_379 = tpu.memref_squeeze %dma_wait3A_378 : memref<1x128x128xf32, #tpu.memory_space<hbm>> -> memref<128x128xf32, #tpu.memory_space<hbm>>
    %dma_wait3A_380 = arith.constant 0 : i32
    %dma_wait3A_381 = tpu.memref_slice %arg6[%select_n3A, %add3A_218, %dma_wait3A_380] : memref<2x8192x128xf32, #tpu.memory_space<hbm>> -> memref<1x128x128xf32, #tpu.memory_space<hbm>>
    %dma_wait3A_382 = tpu.memref_squeeze %dma_wait3A_381 : memref<1x128x128xf32, #tpu.memory_space<hbm>> -> memref<128x128xf32, #tpu.memory_space<hbm>>
    %dma_wait3A_383 = arith.constant 0 : i32
    %dma_wait3A_384 = arith.constant 0 : i32
    %dma_wait3A_385 = tpu.memref_slice %arg9[%dma_wait3A_372, %dma_wait3A_383, %dma_wait3A_384] : memref<4x128x128xf32, #tpu.memory_space<vmem>> -> memref<1x128x128xf32, #tpu.memory_space<vmem>>
    %dma_wait3A_386 = tpu.memref_squeeze %dma_wait3A_385 : memref<1x128x128xf32, #tpu.memory_space<vmem>> -> memref<128x128xf32, #tpu.memory_space<vmem>>
    tpu.wait_dma2 semaphore(%arg21 : memref<!tpu.dma_semaphore, #tpu.memory_space<semaphore_mem>>) src(%dma_wait3A_386 : memref<128x128xf32, #tpu.memory_space<vmem>>) dst(%dma_wait3A_382 : memref<128x128xf32, #tpu.memory_space<hbm>>)
    %dma_wait3A_387 = arith.constant 2 : i32
    %dma_wait3A_388 = arith.constant 0 : i32
    %dma_wait3A_389 = arith.constant 0 : i32
    %dma_wait3A_390 = tpu.memref_slice %arg8[%dma_wait3A_387, %dma_wait3A_388, %dma_wait3A_389] : memref<3x128x128xf32, #tpu.memory_space<vmem>> -> memref<1x128x128xf32, #tpu.memory_space<vmem>>
    %dma_wait3A_391 = tpu.memref_squeeze %dma_wait3A_390 : memref<1x128x128xf32, #tpu.memory_space<vmem>> -> memref<128x128xf32, #tpu.memory_space<vmem>>
    %dma_wait3A_392 = arith.constant 0 : i32
    %dma_wait3A_393 = tpu.memref_slice %arg5[%select_n3A, %add3A_245, %dma_wait3A_392] : memref<2x8192x128xf32, #tpu.memory_space<hbm>> -> memref<1x128x128xf32, #tpu.memory_space<hbm>>
    %dma_wait3A_394 = tpu.memref_squeeze %dma_wait3A_393 : memref<1x128x128xf32, #tpu.memory_space<hbm>> -> memref<128x128xf32, #tpu.memory_space<hbm>>
    %dma_wait3A_395 = arith.constant 0 : i32
    %dma_wait3A_396 = tpu.memref_slice %arg5[%select_n3A, %add3A_245, %dma_wait3A_395] : memref<2x8192x128xf32, #tpu.memory_space<hbm>> -> memref<1x128x128xf32, #tpu.memory_space<hbm>>
    %dma_wait3A_397 = tpu.memref_squeeze %dma_wait3A_396 : memref<1x128x128xf32, #tpu.memory_space<hbm>> -> memref<128x128xf32, #tpu.memory_space<hbm>>
    %dma_wait3A_398 = arith.constant 0 : i32
    %dma_wait3A_399 = arith.constant 0 : i32
    %dma_wait3A_400 = tpu.memref_slice %arg8[%dma_wait3A_387, %dma_wait3A_398, %dma_wait3A_399] : memref<3x128x128xf32, #tpu.memory_space<vmem>> -> memref<1x128x128xf32, #tpu.memory_space<vmem>>
    %dma_wait3A_401 = tpu.memref_squeeze %dma_wait3A_400 : memref<1x128x128xf32, #tpu.memory_space<vmem>> -> memref<128x128xf32, #tpu.memory_space<vmem>>
    tpu.wait_dma2 semaphore(%arg15 : memref<!tpu.dma_semaphore, #tpu.memory_space<semaphore_mem>>) src(%dma_wait3A_401 : memref<128x128xf32, #tpu.memory_space<vmem>>) dst(%dma_wait3A_397 : memref<128x128xf32, #tpu.memory_space<hbm>>)
    %dma_wait3A_402 = arith.constant 2 : i32
    %dma_wait3A_403 = arith.constant 0 : i32
    %dma_wait3A_404 = arith.constant 0 : i32
    %dma_wait3A_405 = tpu.memref_slice %arg9[%dma_wait3A_402, %dma_wait3A_403, %dma_wait3A_404] : memref<4x128x128xf32, #tpu.memory_space<vmem>> -> memref<1x128x128xf32, #tpu.memory_space<vmem>>
    %dma_wait3A_406 = tpu.memref_squeeze %dma_wait3A_405 : memref<1x128x128xf32, #tpu.memory_space<vmem>> -> memref<128x128xf32, #tpu.memory_space<vmem>>
    %dma_wait3A_407 = arith.constant 0 : i32
    %dma_wait3A_408 = tpu.memref_slice %arg6[%select_n3A, %add3A_272, %dma_wait3A_407] : memref<2x8192x128xf32, #tpu.memory_space<hbm>> -> memref<1x128x128xf32, #tpu.memory_space<hbm>>
    %dma_wait3A_409 = tpu.memref_squeeze %dma_wait3A_408 : memref<1x128x128xf32, #tpu.memory_space<hbm>> -> memref<128x128xf32, #tpu.memory_space<hbm>>
    %dma_wait3A_410 = arith.constant 0 : i32
    %dma_wait3A_411 = tpu.memref_slice %arg6[%select_n3A, %add3A_272, %dma_wait3A_410] : memref<2x8192x128xf32, #tpu.memory_space<hbm>> -> memref<1x128x128xf32, #tpu.memory_space<hbm>>
    %dma_wait3A_412 = tpu.memref_squeeze %dma_wait3A_411 : memref<1x128x128xf32, #tpu.memory_space<hbm>> -> memref<128x128xf32, #tpu.memory_space<hbm>>
    %dma_wait3A_413 = arith.constant 0 : i32
    %dma_wait3A_414 = arith.constant 0 : i32
    %dma_wait3A_415 = tpu.memref_slice %arg9[%dma_wait3A_402, %dma_wait3A_413, %dma_wait3A_414] : memref<4x128x128xf32, #tpu.memory_space<vmem>> -> memref<1x128x128xf32, #tpu.memory_space<vmem>>
    %dma_wait3A_416 = tpu.memref_squeeze %dma_wait3A_415 : memref<1x128x128xf32, #tpu.memory_space<vmem>> -> memref<128x128xf32, #tpu.memory_space<vmem>>
    tpu.wait_dma2 semaphore(%arg22 : memref<!tpu.dma_semaphore, #tpu.memory_space<semaphore_mem>>) src(%dma_wait3A_416 : memref<128x128xf32, #tpu.memory_space<vmem>>) dst(%dma_wait3A_412 : memref<128x128xf32, #tpu.memory_space<hbm>>)
    %dma_wait3A_417 = arith.constant 0 : i32
    %dma_wait3A_418 = arith.constant 0 : i32
    %dma_wait3A_419 = arith.constant 0 : i32
    %dma_wait3A_420 = tpu.memref_slice %arg8[%dma_wait3A_417, %dma_wait3A_418, %dma_wait3A_419] : memref<3x128x128xf32, #tpu.memory_space<vmem>> -> memref<1x128x128xf32, #tpu.memory_space<vmem>>
    %dma_wait3A_421 = tpu.memref_squeeze %dma_wait3A_420 : memref<1x128x128xf32, #tpu.memory_space<vmem>> -> memref<128x128xf32, #tpu.memory_space<vmem>>
    %dma_wait3A_422 = arith.constant 0 : i32
    %dma_wait3A_423 = tpu.memref_slice %arg5[%select_n3A, %add3A_299, %dma_wait3A_422] : memref<2x8192x128xf32, #tpu.memory_space<hbm>> -> memref<1x128x128xf32, #tpu.memory_space<hbm>>
    %dma_wait3A_424 = tpu.memref_squeeze %dma_wait3A_423 : memref<1x128x128xf32, #tpu.memory_space<hbm>> -> memref<128x128xf32, #tpu.memory_space<hbm>>
    %dma_wait3A_425 = arith.constant 0 : i32
    %dma_wait3A_426 = tpu.memref_slice %arg5[%select_n3A, %add3A_299, %dma_wait3A_425] : memref<2x8192x128xf32, #tpu.memory_space<hbm>> -> memref<1x128x128xf32, #tpu.memory_space<hbm>>
    %dma_wait3A_427 = tpu.memref_squeeze %dma_wait3A_426 : memref<1x128x128xf32, #tpu.memory_space<hbm>> -> memref<128x128xf32, #tpu.memory_space<hbm>>
    %dma_wait3A_428 = arith.constant 0 : i32
    %dma_wait3A_429 = arith.constant 0 : i32
    %dma_wait3A_430 = tpu.memref_slice %arg8[%dma_wait3A_417, %dma_wait3A_428, %dma_wait3A_429] : memref<3x128x128xf32, #tpu.memory_space<vmem>> -> memref<1x128x128xf32, #tpu.memory_space<vmem>>
    %dma_wait3A_431 = tpu.memref_squeeze %dma_wait3A_430 : memref<1x128x128xf32, #tpu.memory_space<vmem>> -> memref<128x128xf32, #tpu.memory_space<vmem>>
    tpu.wait_dma2 semaphore(%arg13 : memref<!tpu.dma_semaphore, #tpu.memory_space<semaphore_mem>>) src(%dma_wait3A_431 : memref<128x128xf32, #tpu.memory_space<vmem>>) dst(%dma_wait3A_427 : memref<128x128xf32, #tpu.memory_space<hbm>>)
    %dma_wait3A_432 = arith.constant 3 : i32
    %dma_wait3A_433 = arith.constant 0 : i32
    %dma_wait3A_434 = arith.constant 0 : i32
    %dma_wait3A_435 = tpu.memref_slice %arg9[%dma_wait3A_432, %dma_wait3A_433, %dma_wait3A_434] : memref<4x128x128xf32, #tpu.memory_space<vmem>> -> memref<1x128x128xf32, #tpu.memory_space<vmem>>
    %dma_wait3A_436 = tpu.memref_squeeze %dma_wait3A_435 : memref<1x128x128xf32, #tpu.memory_space<vmem>> -> memref<128x128xf32, #tpu.memory_space<vmem>>
    %dma_wait3A_437 = arith.constant 0 : i32
    %dma_wait3A_438 = tpu.memref_slice %arg6[%select_n3A, %add3A_326, %dma_wait3A_437] : memref<2x8192x128xf32, #tpu.memory_space<hbm>> -> memref<1x128x128xf32, #tpu.memory_space<hbm>>
    %dma_wait3A_439 = tpu.memref_squeeze %dma_wait3A_438 : memref<1x128x128xf32, #tpu.memory_space<hbm>> -> memref<128x128xf32, #tpu.memory_space<hbm>>
    %dma_wait3A_440 = arith.constant 0 : i32
    %dma_wait3A_441 = tpu.memref_slice %arg6[%select_n3A, %add3A_326, %dma_wait3A_440] : memref<2x8192x128xf32, #tpu.memory_space<hbm>> -> memref<1x128x128xf32, #tpu.memory_space<hbm>>
    %dma_wait3A_442 = tpu.memref_squeeze %dma_wait3A_441 : memref<1x128x128xf32, #tpu.memory_space<hbm>> -> memref<128x128xf32, #tpu.memory_space<hbm>>
    %dma_wait3A_443 = arith.constant 0 : i32
    %dma_wait3A_444 = arith.constant 0 : i32
    %dma_wait3A_445 = tpu.memref_slice %arg9[%dma_wait3A_432, %dma_wait3A_443, %dma_wait3A_444] : memref<4x128x128xf32, #tpu.memory_space<vmem>> -> memref<1x128x128xf32, #tpu.memory_space<vmem>>
    %dma_wait3A_446 = tpu.memref_squeeze %dma_wait3A_445 : memref<1x128x128xf32, #tpu.memory_space<vmem>> -> memref<128x128xf32, #tpu.memory_space<vmem>>
    tpu.wait_dma2 semaphore(%arg23 : memref<!tpu.dma_semaphore, #tpu.memory_space<semaphore_mem>>) src(%dma_wait3A_446 : memref<128x128xf32, #tpu.memory_space<vmem>>) dst(%dma_wait3A_442 : memref<128x128xf32, #tpu.memory_space<hbm>>)
    return
  }
}

</mosaic_0001>

<sc_bundles>
// kernel: kernel.3.cloned.1.call-start
scs
__scs_entry_jumppad:
0x0: {  	(pc) =	sbr.rel $0x88, $3  }
0x1: {  	(tag) =	ssettag $0x0;
	lr =	simm.s32 $0x1  }
0x2: {  	[smem:$0x3F9E] =	sst lr;
	_ =	strace $0xD0000000  }
0x3: {  	_ = 	snop  }
0x4: {  	_ = 	snop  }
0x5: {  	_ = 	snop  }
0x6: {  	_ = 	snop  }
0x7: {  	_ = 	snop  }
__scs_overlays_trampoline_lowered:
0x8: {  	[smem:$0x3FAD] =	sst s0  }
0x9: {  	[smem:$0x3FAE] =	sst s1  }
0xa: {  	[smem:$0x3FAF] =	sst s2  }
0xb: {  	[smem:$0x3FB0] =	sst s3  }
0xc: {  	[smem:$0x3FB1] =	sst s4  }
0xd: {  	[smem:$0x3FB2] =	sst s5  }
0xe: {  	[smem:$0x3FB3] =	sst s6  }
0xf: {  	[smem:$0x3FB4] =	sst s7  }
0x10: {  	[smem:$0x3FB5] =	sst s8  }
0x11: {  	[smem:$0x3FB6] =	sst s9;
	s0 =	simm.s32 @!p0 $0x0  }
0x12: {  	s1 =	sld [smem:$0x3F9C];
	s0 =	simm.s32 @p0 $0x1  }
0x13: {  	[smem:$0x3FB7] =	sst s0;
	s0 =	simm.s32 @!p1 $0x0  }
0x14: {  	s2 =	sld [smem:$0x3F9B];
	s0 =	simm.s32 @p1 $0x1  }
0x15: {  	[smem:$0x3FB8] =	sst s0;
	s0 =	simm.s32 @!p2 $0x0  }
0x16: {  	s3 =	sld [smem:$0x3FDB];
	s0 =	simm.s32 @p2 $0x1  }
0x17: {  	s4 =	simm.s32 $0x1BF5;
	[smem:$0x3FBA] =	sst s0  }
0x18: {  	s0 =	sld [smem:$0x3F9D];
	_ =	swait.ge [sflag:s4], $0x0  }
0x19: {  	s7 =	sld [smem:$0x3F9E]  }
0x1a: {  	s8 =	sadd.s32 $0xFFFFE003, lr  }
0x1b: {  	s9 =	sadd.s32 $0xFFFFFEF7, lr;
	s5 =	simm.s32 $0xFFFFFFFF;
	p2 =	slt.u32 s8, $0xFFFFF086  }
0x1c: {  	p1 =	slt.u32 s9, $0xF7A;
	s5 =	simm.s32 @!p2 $0x0  }
0x1d: {  	s5 =	simm.s32 @p1 $0x1;
	p0 =	seq.s32 s7, s2  }
0x1e: {  	s7 =	smul.u32 @!p0 $0xF7A, s2;
	p2 =	seq.s32 @!p0 s5, $0x0  }
0x1f: {  	s9 =	smul.u32 $0xF7A, s1;
	s8 =	simm.s32 @!p0 $0x1BF5;
	p2 =	por !p2, p0  }
0x20: {  	[sflag:s8] =	ssyncset.s32 @!p0 $0xFFFFF086;
	s6 =	sadd.s32 @!p0 s3, s7;
	s7 =	simm.s32 @!p0 $0x108  }
0x21: {  	s3 =	sadd.s32 s3, s9;
	s6 =	sadd.s32 @!p0 $0x88, s6;
	s7 =	simm.s32 @p2 $0x1082  }
0x22: {  	[simem:s7], [sflag:s8] =	dma.local @!p0 [hbm:s6], $0xF7A  }
0x23: {  	s9 =	sor.u32 $0xD0000000, s2;
	s6 =	simm.s32 $0x108;
	_ =	swait.ge @!p0 [sflag:s8], $0x0  }
0x24: {  	s3 =	sadd.s32 $0x88, s3;
	s6 =	simm.s32 @!p1 $0x1082;
	[sflag:s4] =	ssyncset.s32 $0xFFFFF086  }
0x25: {  	[simem:s6], [sflag:s4] =	dma.local [hbm:s3], $0xF7A  }
0x26: {  	[smem:$0x3F9E] =	sst s1;
	(tag) =	ssettag s2;
	_ =	strace s9  }
0x27: {  	s1 =	sld [smem:$0x3FAE]  }
0x28: {  	s2 =	sld [smem:$0x3FAF]  }
0x29: {  	s4 =	sld [smem:$0x3FB1]  }
0x2a: {  	p0 =	seq.s32 s5, $0x0;
	s5 =	sld [smem:$0x3FB2]  }
0x2b: {  	s6 =	sld [smem:$0x3FB3]  }
0x2c: {  	s7 =	sld [smem:$0x3FB4]  }
0x2d: {  	s3 =	simm.s32 $0x108;
	s8 =	sld [smem:$0x3FB5]  }
0x2e: {  	s3 =	simm.s32 @!p0 $0x1082;
	s9 =	sld [smem:$0x3FB6]  }
0x2f: {  	lr =	sadd.s32 s0, s3;
	s0 =	sld [smem:$0x3FAD]  }
0x30: {  	s3 =	sld [smem:$0x3FB0]  }
0x31: {  	[smem:$0x3FB9] =	sst s10  }
0x32: {  	s10 =	sld [smem:$0x3FB7];
	_ =	sdelay $0x3  }
0x33: {  	p0 =	seq.s32 s10, $0x1;
	s10 =	sld [smem:$0x3FB9];
	_ =	sdelay $0x3  }
0x34: {  	[smem:$0x3FB9] =	sst s10  }
0x35: {  	s10 =	sld [smem:$0x3FB8];
	_ =	sdelay $0x3  }
0x36: {  	p1 =	seq.s32 s10, $0x1;
	s10 =	sld [smem:$0x3FB9];
	_ =	sdelay $0x3  }
0x37: {  	[smem:$0x3FB9] =	sst s10  }
0x38: {  	s10 =	sld [smem:$0x3FBA]  }
0x39: {  	_ = 	snop;
	(pc) =	sbr.ind lr, $3  }
0x3a: {  	_ = 	snop  }
0x3b: {  	_ = 	snop  }
0x3c: {  	p2 =	seq.s32 s10, $0x1;
	s10 =	sld [smem:$0x3FB9]  }
0x3d: {  	_ =	shalt  }
0x3e: {  	_ =	shalt  }
0x3f: {  	_ =	shalt  }
0x40: {  	_ =	shalt  }
0x41: {  	_ =	shalt  }
0x42: {  	_ =	shalt  }
0x43: {  	_ =	shalt  }
0x44: {  	_ =	shalt  }
0x45: {  	_ =	shalt  }
0x46: {  	_ =	shalt  }
0x47: {  	_ =	shalt  }
0x48: {  	_ =	shalt  }
0x49: {  	_ =	shalt  }
0x4a: {  	_ =	shalt  }
0x4b: {  	_ =	shalt  }
0x4c: {  	_ =	shalt  }
0x4d: {  	_ =	shalt  }
0x4e: {  	_ =	shalt  }
0x4f: {  	_ =	shalt  }
0x50: {  	_ =	shalt  }
0x51: {  	_ =	shalt  }
0x52: {  	_ =	shalt  }
0x53: {  	_ =	shalt  }
0x54: {  	_ =	shalt  }
0x55: {  	_ =	shalt  }
0x56: {  	_ =	shalt  }
0x57: {  	_ =	shalt  }
0x58: {  	_ =	shalt  }
0x59: {  	_ =	shalt  }
0x5a: {  	_ =	shalt  }
0x5b: {  	_ =	shalt  }
0x5c: {  	_ =	shalt  }
0x5d: {  	_ =	shalt  }
0x5e: {  	_ =	shalt  }
0x5f: {  	_ =	shalt  }
0x60: {  	_ =	shalt  }
0x61: {  	_ =	shalt  }
0x62: {  	_ =	shalt  }
0x63: {  	_ =	shalt  }
0x64: {  	_ =	shalt  }
0x65: {  	_ =	shalt  }
0x66: {  	_ =	shalt  }
0x67: {  	_ =	shalt  }
0x68: {  	_ =	shalt  }
0x69: {  	_ =	shalt  }
0x6a: {  	_ =	shalt  }
0x6b: {  	_ =	shalt  }
0x6c: {  	_ =	shalt  }
0x6d: {  	_ =	shalt  }
0x6e: {  	_ =	shalt  }
0x6f: {  	_ =	shalt  }
0x70: {  	_ =	shalt  }
0x71: {  	_ =	shalt  }
0x72: {  	_ =	shalt  }
0x73: {  	_ =	shalt  }
0x74: {  	_ =	shalt  }
0x75: {  	_ =	shalt  }
0x76: {  	_ =	shalt  }
0x77: {  	_ =	shalt  }
0x78: {  	_ =	shalt  }
0x79: {  	_ =	shalt  }
0x7a: {  	_ =	shalt  }
0x7b: {  	_ =	shalt  }
0x7c: {  	_ =	shalt  }
0x7d: {  	_ =	shalt  }
0x7e: {  	_ =	shalt  }
0x7f: {  	_ =	shalt  }
0x80: {  	_ =	shalt  }
0x81: {  	_ =	shalt  }
0x82: {  	_ =	shalt  }
0x83: {  	_ =	shalt  }
0x84: {  	_ =	shalt  }
0x85: {  	_ =	shalt  }
0x86: {  	_ =	shalt  }
0x87: {  	_ =	shalt  }
.Lfunc_end0:
.L_simem_size_0:
called_computation_lowered:
.L_overlay_start_0:
0x88: {  	s2 =	sld [smem:$0x3FD9]  }
0x89: {  	s3 =	sld [smem:$0x3FFE];
	_ =	sdelay $0x1  }
0x8a: {  	s1 =	srdreg.scid  }
0x8b: {  	s0 =	sand.u32 $0x1, s1  }
0x8c: {  	s15 =	sshll.u32 s0, $0xA;
	s2 =	sadd.s32 s3, s2  }
0x8d: {  	s2 =	sadd.s32 s2, s15  }
0x8e: {  	[smem:$0x3FC5] =	sst s2  }
0x8f: {  	_ = 	snop  }
0x90: {  	s2 =	sld [smem:$0x3FD0]  }
0x91: {  	s16 =	sld [smem:$0x3FC9]  }
0x92: {  	s4 =	sld [smem:$0x3FC8]  }
0x93: {  	s6 =	simm.s32 $0xA;
	s7 =	simm.s32 $0x10;
	s5 =	sld [smem:$0x3FC7]  }
0x94: {  	[smem:s7], [sflag:s6] =	dma.local [hbm:s2], $0x1  }
0x95: {  	_ =	swait.eq [sflag:s6], $0x1  }
0x96: {  	[sflag:s6] =	ssyncset.done $0x0  }
0x97: {  	s17 =	sld [smem:$0x10];
	[sflag:s6] =	ssyncadd.s32 $0xFFFFFFFF  }
0x98: {  	s18 =	sld [smem:$0x11];
	(tm) =	ssettm $0x1  }
0x99: {  	s19 =	sld [smem:$0x3FFB];
	_ =	sdelay $0x3  }
0x9a: {  	_ =	strace s19  }
0x9b: {  	s7 =	sld [smem:$0x3FFC];
	_ =	sdelay $0x3  }
0x9c: {  	_ =	strace s7  }
0x9d: {  	s7 =	sld [smem:$0x3FFD];
	_ =	sdelay $0x3  }
0x9e: {  	_ =	strace s7  }
0x9f: {  	_ =	strace $0x8FFFFFFF  }
0xa0: {  	s20 =	sld [smem:$0x3FDB];
	_ =	sdelay $0x1  }
0xa1: {  	s8 =	simm.s32 $_scs_section_size  }
0xa2: {  	s9 =	simm.s32 $_size__tile_overlayer_lowered;
	s10 =	simm.s32 $_tile_overlayer_lowered  }
0xa3: {  	s23 =	simm.s32 $0x1BFF;
	s22 =	sshll.u32 s10, $0x1;
	s7 =	sadd.s32 s8, s20  }
0xa4: {  	s11 =	simm.s32 $0x0;
	s21 =	sshll.u32 s9, $0x1;
	s9 =	sadd.s32 s22, s7  }
0xa5: {  	[timem:s11], [sflag:s23] =	dma.local [hbm:s9], s21  }
0xa6: {  	_ =	swait.ge [sflag:s23], s21  }
0xa7: {  	s8 =	ssub.s32 $0x0, s21;
	[sflag:s23] =	ssyncset.done $0x0  }
0xa8: {  	[sflag:s23] =	ssyncadd.s32 s8;
	_ =	sdelay $0x1  }
0xa9: {  	s24 =	simm.s32 $0x1B8B  }
0xaa: {  	_ =	swait.ge [sflag:s24], $0x1  }
0xab: {  	[sflag:s24] =	ssyncset.done $0x0  }
0xac: {  	s25 =	simm.s32 $0x1B8E;
	[sflag:s24] =	ssyncadd.s32 $0xFFFFFFFF  }
0xad: {  	s26 =	simm.s32 $execute0_lowered;
	[smem:$0x3FD2] =	sst s25  }
0xae: {  	s8 =	sshll.u32 s26, $0x1;
	_ =	strace $0x80000046;
	[dreg:$0x1] =	wrdreg $0xFFFFFFFF  }
0xaf: {  	s28 =	simm.s32 $_size_execute0_lowered;
	s7 =	sadd.s32 s7, s8;
	[dreg:$0x0] =	wrdreg $0x0  }
0xb0: {  	s8 =	sshll.u32 s28, $0x1;
	[dreg:$0x2] =	wrdreg s7  }
0xb1: {  	[dreg:$0x3] =	wrdreg s8  }
0xb2: {  	[dreg:$0x4] =	wrdreg $0xC0  }
0xb3: {  	_ =	task [dreg:s11], $0x5FFFF  }
0xb4: {  	[dreg:$0x1] =	wrdreg $0xFFFFFFFF  }
0xb5: {  	[dreg:$0x0] =	wrdreg $0x60  }
0xb6: {  	[dreg:$0x2] =	wrdreg s4  }
0xb7: {  	[dreg:$0x3] =	wrdreg s5  }
0xb8: {  	[dreg:$0x4] =	wrdreg s16  }
0xb9: {  	[dreg:$0x5] =	wrdreg s17  }
0xba: {  	[dreg:$0x6] =	wrdreg s18  }
0xbb: {  	[dreg:$0x7] =	wrdreg $0x9  }
0xbc: {  	_ =	task.clear_ibuf [dreg:s11], $0x8FFFF;
	_ =	strace $0x90000046  }
0xbd: {  	s29 =	simm.s32 $0x9;
	_ =	strace $0x80000048  }
0xbe: {  	_ =	swait.ge [sflag:s29], $0x1  }
0xbf: {  	[sflag:s29] =	ssyncadd.s32 $0xFFFFFFFF  }
0xc0: {  	_ =	strace $0x90000048  }
0xc1: {  	_ =	sfence  }
0xc2: {  	s30 =	sld [smem:$0x0];
	_ =	sdelay $0x2  }
0xc3: {  	s31 =	sshll.u32 s1, $0xD;
	s1 =	sshrl.u32 s1, $0x2  }
0xc4: {  	s3 =	sand.u32 $0x4000, s31;
	s1 =	sadd.s32 s1, s30  }
0xc5: {  	s0 =	sor.u32 s3, s0;
	s1 =	sshll.u32 s1, $0x11  }
0xc6: {  	s0 =	sor.u32 s1, s0  }
0xc7: {  	s0 =	sadd.s32 $0x8F2B, s0  }
0xc8: {  	[sflag:s0] =	ssyncadd.remote.s32 $0x1  }
0xc9: {  	_ =	sfence.sel $0xFFFF  }
0xca: {  	[dreg:$0x0] =	wrdreg $0xFFFFFFFF;
	(pc) =	sbr.abs _section_cstart, $3  }
0xcb: {  	[dreg:$0x1] =	wrdreg $0xFFFFFFFF  }
0xcc: {  	_ =	task.clear_ibuf [dreg:s11], $0x2FFFF;
	_ =	strace $0x9FFFFFFF  }
0xcd: {  	(tm) =	ssettm $0x7FFFFFFF  }
tec
execute0_lowered:
.L_overlay_start_1:
0x0: {  	(tag) =	ssettag $0x1  }
0x1: {  	s3 =	rddreg [dreg:$0x0]  }
0x2: {  	s5 =	rddreg [dreg:$0x1]  }
0x3: {  	s0 =	rddreg [dreg:$0x2]  }
0x4: {  	s1 =	rddreg [dreg:$0x3]  }
0x5: {  	s8 =	stileid.u32;
	s4 =	rddreg [dreg:$0x4]  }
0x6: {  	s2 =	srdreg.scid;
	s21 =	simm.s32 $0x80;
	s29 =	simm.s32 $0x100  }
0x7: {  	s31 =	simm.s32 $0xF;
	s22 =	simm.s32 $0x4200;
	s19 =	simm.s32 $0x10200  }
0x8: {  	s18 =	simm.s32 $0x8200;
	s30 =	simm.s32 $0x7;
	s28 =	simm.s32 $0x2  }
0x9: {  	s23 =	simm.s32 $0x3;
	s20 =	simm.s32 $0x9;
	p0 =	por $0x0, $0x0  }
0xa: {  	s6 =	sshll.u32 s8, $0x1;
	s7 =	sand.u32 $0x1, s2;
	s2 =	simm.s32 $0x0  }
0xb: {  	s8 =	sshrl.u32 s8, $0x3;
	s6 =	sand.u32 $0xE, s6;
	[smem:$0x7FF] =	sst s2  }
0xc: {  	s10 =	sshll.u32 s8, $0x4;
	s8 =	sshll.u32 s8, $0x11;
	s6 =	sor.u32 s7, s6  }
0xd: {  	s0 =	sadd.s32 s0, s10;
	_ =	strace $0x80000047;
	s7 =	ssub.s32 $0x2, s7  }
0xe: {  	s9 =	sshll.u32 s6, $0xD;
	s6 =	sshll.u32 s6, $0x7;
	s14 =	sshrl.u32 s7, $0x1  }
0xf: {  	s0 =	sadd.s32 s6, s0;
	s24 =	sor.u32 s8, s9;
	s16 =	ssub.s32 s7, s14  }
0x10: {  	s14 =	simm.s32 $0x14200;
	s7 =	simm.s32 $0xE;
	[dreg:$0x6] =	wrdreg s0  }
0x11: {  	s25 =	sadd.s32 s1, s24;
	s26 =	sadd.s32 s4, s24;
	s8 =	sor.u32 $0x800, s24  }
0x12: {  	s11 =	sor.u32 $0x1000, s24;
	s6 =	sor.u32 $0x1800, s24;
	s17 =	smax.u32 s16, $0x1  }
0x13: {  	s24 =	simm.s32 $0x8;
	s16 =	simm.s32 $0xA;
	[dreg:$0x7] =	wrdreg s25  }
0x14: {  	[dreg:$0x8] =	wrdreg s26;
	s9 =	sadd.s32 s1, s8;
	s10 =	sadd.s32 s4, s8  }
0x15: {  	s12 =	sadd.s32 s1, s11;
	s13 =	sadd.s32 s4, s11;
	s15 =	sadd.s32 s1, s6  }
0x16: {  	s6 =	sadd.s32 s4, s6;
	s8 =	simm.s32 $0x200;
	s0 =	rddreg [dreg:$0x6]  }
0x17: {  	s25 =	simm.s32 $0xC200;
	p1 =	sne.s32 s17, $0x1;
	[dreg:$0x9] =	wrdreg s9  }
.Ltmp0:
0x18: {  	s26 =	simm.s32 $0x180;
	[dreg:$0xa] =	wrdreg s10;
	(pc) =	sbr.rel @!p1 .LBB2_3-.Ltmp0, $4  }
0x19: {  	s4 =	simm.s32 $0x4;
	s1 =	sadd.s32 $0xFFFFFFFF, s17;
	[dreg:$0xb] =	wrdreg s12  }
0x1a: {  	s17 =	simm.s32 $0xB;
	s11 =	simm.s32 $0x6;
	[dreg:$0xc] =	wrdreg s13  }
0x1b: {  	[dreg:$0xd] =	wrdreg s15;
	s9 =	simm.s32 $0x18200;
	s13 =	simm.s32 $0x1  }
0x1c: {  	s15 =	simm.s32 $0x5;
	s12 =	simm.s32 $0xC;
	s10 =	simm.s32 $0xD  }
0x1d: {  	[tilespmem:s2], [sflag:$0xF] =	stream.strided.gather [hbm4b:s0+s21], $0x200, s29, s21, $0x38;
	[tilespmem:$0x1C200] =	vst v63  }
0x1e: {  	_ =	swait.ge [sflag:s31], $0x200  }
0x1f: {  	[sflag:s31] =	ssyncset.done $0x0  }
0x20: {  	[sflag:s31] =	ssyncadd.s32 $0xFFFFFE00  }
0x21: {  	[tilespmem:s8], [sflag:$0x1] =	stream.indirect.gather [hbm4b:s3+s21], $0x80, s2, s21, $0xb8;
	[tilespmem:$0x1C200] =	vst v63  }
0x22: {  	_ = 	snop  }
0x23: {  	[tilespmem:s25], [sflag:$0x7] =	stream.indirect.gather [hbm4b:s5+s21], $0x80, s2, s21, $0xb8;
	[tilespmem:$0x1C200] =	vst v63  }
0x24: {  	_ = 	snop  }
0x25: {  	[tilespmem:s22], [sflag:$0x2] =	stream.indirect.gather [hbm4b:s3+s21], $0x80, s21, s21, $0xb8;
	[tilespmem:$0x1C200] =	vst v63  }
0x26: {  	_ = 	snop  }
0x27: {  	[tilespmem:s19], [sflag:$0x8] =	stream.indirect.gather [hbm4b:s5+s21], $0x80, s21, s21, $0xb8;
	[tilespmem:$0x1C200] =	vst v63  }
0x28: {  	_ = 	snop  }
0x29: {  	[tilespmem:s18], [sflag:$0x3] =	stream.indirect.gather [hbm4b:s3+s21], $0x80, s29, s21, $0xb8;
	[tilespmem:$0x1C200] =	vst v63  }
0x2a: {  	_ = 	snop  }
0x2b: {  	[tilespmem:s14], [sflag:$0x9] =	stream.indirect.gather [hbm4b:s5+s21], $0x80, s29, s21, $0xb8;
	[tilespmem:$0x1C200] =	vst v63  }
0x2c: {  	_ = 	snop  }
0x2d: {  	[tilespmem:s9], [sflag:$0xA] =	stream.indirect.gather [hbm4b:s5+s21], $0x80, s26, s21, $0xb8;
	[tilespmem:$0x1C200] =	vst v63  }
0x2e: {  	_ =	swait.ge [sflag:s13], $0x4000  }
0x2f: {  	[sflag:s13] =	ssyncset.done $0x0  }
0x30: {  	s0 =	rddreg [dreg:$0x7];
	[sflag:s13] =	ssyncadd.s32 $0xFFFFC000  }
0x31: {  	[hbm4b:s0+s2] =	stream.linear.scatter [tilespmem:s8], [sflag:$0x4], $0x4000, $0x38;
	[tilespmem:$0x1C200] =	vst v63  }
0x32: {  	_ =	swait.ge [sflag:s30], $0x4000  }
0x33: {  	[sflag:s30] =	ssyncset.done $0x0  }
0x34: {  	s0 =	rddreg [dreg:$0x8];
	[sflag:s30] =	ssyncadd.s32 $0xFFFFC000  }
0x35: {  	[hbm4b:s0+s2] =	stream.linear.scatter [tilespmem:s25], [sflag:$0xB], $0x4000, $0x38;
	[tilespmem:$0x1C200] =	vst v63  }
0x36: {  	_ =	swait.ge [sflag:s4], $0x4000  }
0x37: {  	[sflag:s4] =	ssyncset.done $0x0  }
0x38: {  	[sflag:s4] =	ssyncadd.s32 $0xFFFFC000  }
0x39: {  	[tilespmem:s8], [sflag:$0x1] =	stream.indirect.gather [hbm4b:s3+s21], $0x80, s26, s21, $0xb8;
	[tilespmem:$0x1C200] =	vst v63  }
0x3a: {  	_ =	swait.ge [sflag:s28], $0x4000  }
0x3b: {  	[sflag:s28] =	ssyncset.done $0x0  }
0x3c: {  	s0 =	rddreg [dreg:$0x9];
	[sflag:s28] =	ssyncadd.s32 $0xFFFFC000  }
0x3d: {  	[hbm4b:s0+s2] =	stream.linear.scatter [tilespmem:s22], [sflag:$0x5], $0x4000, $0x38;
	[tilespmem:$0x1C200] =	vst v63  }
0x3e: {  	_ =	swait.ge [sflag:s24], $0x4000  }
0x3f: {  	[sflag:s24] =	ssyncset.done $0x0  }
0x40: {  	s0 =	rddreg [dreg:$0xa];
	[sflag:s24] =	ssyncadd.s32 $0xFFFFC000  }
0x41: {  	[hbm4b:s0+s2] =	stream.linear.scatter [tilespmem:s19], [sflag:$0xC], $0x4000, $0x38;
	[tilespmem:$0x1C200] =	vst v63  }
0x42: {  	_ =	swait.ge [sflag:s23], $0x4000  }
0x43: {  	[sflag:s23] =	ssyncset.done $0x0  }
0x44: {  	s0 =	rddreg [dreg:$0xb];
	[sflag:s23] =	ssyncadd.s32 $0xFFFFC000  }
0x45: {  	[hbm4b:s0+s2] =	stream.linear.scatter [tilespmem:s18], [sflag:$0x6], $0x4000, $0x38;
	[tilespmem:$0x1C200] =	vst v63  }
0x46: {  	_ =	swait.ge [sflag:s20], $0x4000  }
0x47: {  	[sflag:s20] =	ssyncset.done $0x0  }
0x48: {  	s0 =	rddreg [dreg:$0xc];
	[sflag:s20] =	ssyncadd.s32 $0xFFFFC000  }
0x49: {  	[hbm4b:s0+s2] =	stream.linear.scatter [tilespmem:s14], [sflag:$0xD], $0x4000, $0x38;
	[tilespmem:$0x1C200] =	vst v63  }
0x4a: {  	_ =	swait.ge [sflag:s13], $0x4000  }
0x4b: {  	[sflag:s13] =	ssyncset.done $0x0  }
0x4c: {  	s0 =	rddreg [dreg:$0xd];
	[sflag:s13] =	ssyncadd.s32 $0xFFFFC000  }
0x4d: {  	[hbm4b:s0+s2] =	stream.linear.scatter [tilespmem:s8], [sflag:$0x4], $0x4000, $0x38;
	[tilespmem:$0x1C200] =	vst v63  }
0x4e: {  	_ =	swait.ge [sflag:s16], $0x4000  }
0x4f: {  	[sflag:s16] =	ssyncset.done $0x0  }
0x50: {  	[sflag:s16] =	ssyncadd.s32 $0xFFFFC000  }
0x51: {  	[hbm4b:s6+s2] =	stream.linear.scatter [tilespmem:s9], [sflag:$0xE], $0x4000, $0x38;
	[tilespmem:$0x1C200] =	vst v63  }
0x52: {  	_ =	swait.ge [sflag:s17], $0x4000  }
0x53: {  	[sflag:s17] =	ssyncset.done $0x0  }
0x54: {  	[sflag:s17] =	ssyncadd.s32 $0xFFFFC000  }
0x55: {  	_ =	swait.ge [sflag:s15], $0x4000  }
0x56: {  	[sflag:s15] =	ssyncset.done $0x0  }
0x57: {  	[sflag:s15] =	ssyncadd.s32 $0xFFFFC000  }
0x58: {  	_ =	swait.ge [sflag:s12], $0x4000  }
0x59: {  	[sflag:s12] =	ssyncset.done $0x0  }
0x5a: {  	[sflag:s12] =	ssyncadd.s32 $0xFFFFC000  }
0x5b: {  	_ =	swait.ge [sflag:s11], $0x4000  }
0x5c: {  	[sflag:s11] =	ssyncset.done $0x0  }
0x5d: {  	[sflag:s11] =	ssyncadd.s32 $0xFFFFC000  }
0x5e: {  	_ =	swait.ge [sflag:s10], $0x4000  }
0x5f: {  	[sflag:s10] =	ssyncset.done $0x0  }
0x60: {  	p1 =	sne.s32 s1, $0x1;
	[sflag:s10] =	ssyncadd.s32 $0xFFFFC000  }
.Ltmp1:
0x61: {  	_ =	swait.ge [sflag:s4], $0x4000;
	(pc) =	sbr.rel @!p1 .LBB2_3-.Ltmp1, $4  }
0x62: {  	[sflag:s4] =	ssyncset.done $0x0  }
0x63: {  	[sflag:s4] =	ssyncadd.s32 $0xFFFFC000  }
0x64: {  	s1 =	sadd.s32 $0xFFFFFFFF, s1;
	_ =	swait.ge [sflag:s7], $0x4000  }
0x65: {  	p0 =	por $0x1, $0x1;
	s0 =	rddreg [dreg:$0x6];
	[sflag:s7] =	ssyncset.done $0x0  }
.LBB2_2:
0x66: {  	[sflag:s7] =	ssyncadd.s32 $0xFFFFC000  }
0x67: {  	[tilespmem:s2], [sflag:$0xF] =	stream.strided.gather [hbm4b:s0+s21], $0x200, s29, s21, $0x38;
	[tilespmem:$0x1C200] =	vst v63  }
0x68: {  	_ =	swait.ge [sflag:s31], $0x200  }
0x69: {  	[sflag:s31] =	ssyncset.done $0x0  }
0x6a: {  	[sflag:s31] =	ssyncadd.s32 $0xFFFFFE00  }
0x6b: {  	[tilespmem:s8], [sflag:$0x1] =	stream.indirect.gather [hbm4b:s3+s21], $0x80, s2, s21, $0xb8;
	[tilespmem:$0x1C200] =	vst v63  }
0x6c: {  	_ = 	snop  }
0x6d: {  	[tilespmem:s25], [sflag:$0x7] =	stream.indirect.gather [hbm4b:s5+s21], $0x80, s2, s21, $0xb8;
	[tilespmem:$0x1C200] =	vst v63  }
0x6e: {  	_ = 	snop  }
0x6f: {  	[tilespmem:s22], [sflag:$0x2] =	stream.indirect.gather [hbm4b:s3+s21], $0x80, s21, s21, $0xb8;
	[tilespmem:$0x1C200] =	vst v63  }
0x70: {  	_ = 	snop  }
0x71: {  	[tilespmem:s19], [sflag:$0x8] =	stream.indirect.gather [hbm4b:s5+s21], $0x80, s21, s21, $0xb8;
	[tilespmem:$0x1C200] =	vst v63  }
0x72: {  	_ = 	snop  }
0x73: {  	[tilespmem:s18], [sflag:$0x3] =	stream.indirect.gather [hbm4b:s3+s21], $0x80, s29, s21, $0xb8;
	[tilespmem:$0x1C200] =	vst v63  }
0x74: {  	_ = 	snop  }
0x75: {  	[tilespmem:s14], [sflag:$0x9] =	stream.indirect.gather [hbm4b:s5+s21], $0x80, s29, s21, $0xb8;
	[tilespmem:$0x1C200] =	vst v63  }
0x76: {  	_ = 	snop  }
0x77: {  	[tilespmem:s9], [sflag:$0xA] =	stream.indirect.gather [hbm4b:s5+s21], $0x80, s26, s21, $0xb8;
	[tilespmem:$0x1C200] =	vst v63  }
0x78: {  	_ =	swait.ge [sflag:s13], $0x4000  }
0x79: {  	[sflag:s13] =	ssyncset.done $0x0  }
0x7a: {  	s0 =	rddreg [dreg:$0x7];
	[sflag:s13] =	ssyncadd.s32 $0xFFFFC000  }
0x7b: {  	[hbm4b:s0+s2] =	stream.linear.scatter [tilespmem:s8], [sflag:$0x4], $0x4000, $0x38;
	[tilespmem:$0x1C200] =	vst v63  }
0x7c: {  	_ =	swait.ge [sflag:s30], $0x4000  }
0x7d: {  	[sflag:s30] =	ssyncset.done $0x0  }
0x7e: {  	s0 =	rddreg [dreg:$0x8];
	[sflag:s30] =	ssyncadd.s32 $0xFFFFC000  }
0x7f: {  	[hbm4b:s0+s2] =	stream.linear.scatter [tilespmem:s25], [sflag:$0xB], $0x4000, $0x38;
	[tilespmem:$0x1C200] =	vst v63  }
0x80: {  	_ =	swait.ge [sflag:s4], $0x4000  }
0x81: {  	[sflag:s4] =	ssyncset.done $0x0  }
0x82: {  	[sflag:s4] =	ssyncadd.s32 $0xFFFFC000  }
0x83: {  	[tilespmem:s8], [sflag:$0x1] =	stream.indirect.gather [hbm4b:s3+s21], $0x80, s26, s21, $0xb8;
	[tilespmem:$0x1C200] =	vst v63  }
0x84: {  	_ =	swait.ge [sflag:s28], $0x4000  }
0x85: {  	[sflag:s28] =	ssyncset.done $0x0  }
0x86: {  	s0 =	rddreg [dreg:$0x9];
	[sflag:s28] =	ssyncadd.s32 $0xFFFFC000  }
0x87: {  	[hbm4b:s0+s2] =	stream.linear.scatter [tilespmem:s22], [sflag:$0x5], $0x4000, $0x38;
	[tilespmem:$0x1C200] =	vst v63  }
0x88: {  	_ =	swait.ge [sflag:s24], $0x4000  }
0x89: {  	[sflag:s24] =	ssyncset.done $0x0  }
0x8a: {  	s0 =	rddreg [dreg:$0xa];
	[sflag:s24] =	ssyncadd.s32 $0xFFFFC000  }
0x8b: {  	[hbm4b:s0+s2] =	stream.linear.scatter [tilespmem:s19], [sflag:$0xC], $0x4000, $0x38;
	[tilespmem:$0x1C200] =	vst v63  }
0x8c: {  	_ =	swait.ge [sflag:s23], $0x4000  }
0x8d: {  	[sflag:s23] =	ssyncset.done $0x0  }
0x8e: {  	s0 =	rddreg [dreg:$0xb];
	[sflag:s23] =	ssyncadd.s32 $0xFFFFC000  }
0x8f: {  	[hbm4b:s0+s2] =	stream.linear.scatter [tilespmem:s18], [sflag:$0x6], $0x4000, $0x38;
	[tilespmem:$0x1C200] =	vst v63  }
0x90: {  	_ =	swait.ge [sflag:s20], $0x4000  }
0x91: {  	[sflag:s20] =	ssyncset.done $0x0  }
0x92: {  	s0 =	rddreg [dreg:$0xc];
	[sflag:s20] =	ssyncadd.s32 $0xFFFFC000  }
0x93: {  	[hbm4b:s0+s2] =	stream.linear.scatter [tilespmem:s14], [sflag:$0xD], $0x4000, $0x38;
	[tilespmem:$0x1C200] =	vst v63  }
0x94: {  	_ =	swait.ge [sflag:s13], $0x4000  }
0x95: {  	[sflag:s13] =	ssyncset.done $0x0  }
0x96: {  	s0 =	rddreg [dreg:$0xd];
	[sflag:s13] =	ssyncadd.s32 $0xFFFFC000  }
0x97: {  	[hbm4b:s0+s2] =	stream.linear.scatter [tilespmem:s8], [sflag:$0x4], $0x4000, $0x38;
	[tilespmem:$0x1C200] =	vst v63  }
0x98: {  	_ =	swait.ge [sflag:s16], $0x4000  }
0x99: {  	[sflag:s16] =	ssyncset.done $0x0  }
0x9a: {  	[sflag:s16] =	ssyncadd.s32 $0xFFFFC000  }
0x9b: {  	[hbm4b:s6+s2] =	stream.linear.scatter [tilespmem:s9], [sflag:$0xE], $0x4000, $0x38;
	[tilespmem:$0x1C200] =	vst v63  }
0x9c: {  	_ =	swait.ge [sflag:s17], $0x4000  }
0x9d: {  	[sflag:s17] =	ssyncset.done $0x0  }
0x9e: {  	[sflag:s17] =	ssyncadd.s32 $0xFFFFC000  }
0x9f: {  	_ =	swait.ge [sflag:s15], $0x4000  }
0xa0: {  	[sflag:s15] =	ssyncset.done $0x0  }
0xa1: {  	[sflag:s15] =	ssyncadd.s32 $0xFFFFC000  }
0xa2: {  	_ =	swait.ge [sflag:s12], $0x4000  }
0xa3: {  	[sflag:s12] =	ssyncset.done $0x0  }
0xa4: {  	[sflag:s12] =	ssyncadd.s32 $0xFFFFC000  }
0xa5: {  	_ =	swait.ge [sflag:s11], $0x4000  }
0xa6: {  	[sflag:s11] =	ssyncset.done $0x0  }
0xa7: {  	[sflag:s11] =	ssyncadd.s32 $0xFFFFC000  }
0xa8: {  	_ =	swait.ge [sflag:s10], $0x4000  }
0xa9: {  	[sflag:s10] =	ssyncset.done $0x0  }
0xaa: {  	p1 =	sne.s32 s1, $0x1;
	[sflag:s10] =	ssyncadd.s32 $0xFFFFC000  }
.Ltmp2:
0xab: {  	_ =	swait.ge [sflag:s4], $0x4000;
	(pc) =	sbr.rel @p1 .LBB2_2-.Ltmp2, $4  }
0xac: {  	[sflag:s4] =	ssyncset.done $0x0  }
0xad: {  	[sflag:s4] =	ssyncadd.s32 $0xFFFFC000  }
0xae: {  	_ =	swait.ge [sflag:s7], $0x4000  }
0xaf: {  	s1 =	sadd.s32 $0xFFFFFFFF, s1;
	s0 =	rddreg [dreg:$0x6];
	[sflag:s7] =	ssyncset.done $0x0  }
.LBB2_3:
0xb0: {  	[sflag:s7] =	ssyncadd.s32 @p0 $0xFFFFC000  }
0xb1: {  	[tilespmem:s2], [sflag:$0xF] =	stream.strided.gather [hbm4b:s0+s21], $0x200, s29, s21, $0x38;
	[tilespmem:$0x1C200] =	vst v63  }
0xb2: {  	_ =	swait.ge [sflag:s31], $0x200  }
0xb3: {  	[sflag:s31] =	ssyncset.done $0x0  }
0xb4: {  	[sflag:s31] =	ssyncadd.s32 $0xFFFFFE00  }
0xb5: {  	[tilespmem:s8], [sflag:$0x1] =	stream.indirect.gather [hbm4b:s3+s21], $0x80, s2, s21, $0xb8;
	[tilespmem:$0x1C200] =	vst v63  }
0xb6: {  	_ = 	snop  }
0xb7: {  	[tilespmem:s25], [sflag:$0x7] =	stream.indirect.gather [hbm4b:s5+s21], $0x80, s2, s21, $0xb8;
	[tilespmem:$0x1C200] =	vst v63  }
0xb8: {  	_ = 	snop  }
0xb9: {  	[tilespmem:s22], [sflag:$0x2] =	stream.indirect.gather [hbm4b:s3+s21], $0x80, s21, s21, $0xb8;
	[tilespmem:$0x1C200] =	vst v63  }
0xba: {  	_ = 	snop  }
0xbb: {  	[tilespmem:s19], [sflag:$0x8] =	stream.indirect.gather [hbm4b:s5+s21], $0x80, s21, s21, $0xb8;
	[tilespmem:$0x1C200] =	vst v63  }
0xbc: {  	_ = 	snop  }
0xbd: {  	[tilespmem:s18], [sflag:$0x3] =	stream.indirect.gather [hbm4b:s3+s21], $0x80, s29, s21, $0xb8;
	[tilespmem:$0x1C200] =	vst v63  }
0xbe: {  	_ = 	snop  }
0xbf: {  	[tilespmem:s14], [sflag:$0x9] =	stream.indirect.gather [hbm4b:s5+s21], $0x80, s29, s21, $0xb8;
	[tilespmem:$0x1C200] =	vst v63  }
0xc0: {  	_ = 	snop  }
0xc1: {  	[tilespmem:s9], [sflag:$0xA] =	stream.indirect.gather [hbm4b:s5+s21], $0x80, s26, s21, $0xb8;
	[tilespmem:$0x1C200] =	vst v63  }
0xc2: {  	_ =	swait.ge [sflag:s13], $0x4000  }
0xc3: {  	[sflag:s13] =	ssyncset.done $0x0  }
0xc4: {  	s1 =	rddreg [dreg:$0x7];
	[sflag:s13] =	ssyncadd.s32 $0xFFFFC000  }
0xc5: {  	[hbm4b:s1+s2] =	stream.linear.scatter [tilespmem:s8], [sflag:$0x4], $0x4000, $0x38;
	[tilespmem:$0x1C200] =	vst v63  }
0xc6: {  	_ =	swait.ge [sflag:s30], $0x4000  }
0xc7: {  	[sflag:s30] =	ssyncset.done $0x0  }
0xc8: {  	s5 =	rddreg [dreg:$0x8];
	[sflag:s30] =	ssyncadd.s32 $0xFFFFC000  }
0xc9: {  	[hbm4b:s5+s2] =	stream.linear.scatter [tilespmem:s25], [sflag:$0xB], $0x4000, $0x38;
	[tilespmem:$0x1C200] =	vst v63  }
0xca: {  	_ =	swait.ge [sflag:s4], $0x4000  }
0xcb: {  	[sflag:s4] =	ssyncset.done $0x0  }
0xcc: {  	[sflag:s4] =	ssyncadd.s32 $0xFFFFC000  }
0xcd: {  	[tilespmem:s8], [sflag:$0x1] =	stream.indirect.gather [hbm4b:s3+s21], $0x80, s26, s21, $0xb8;
	[tilespmem:$0x1C200] =	vst v63  }
0xce: {  	_ =	swait.ge [sflag:s28], $0x4000  }
0xcf: {  	[sflag:s28] =	ssyncset.done $0x0  }
0xd0: {  	s25 =	rddreg [dreg:$0x9];
	[sflag:s28] =	ssyncadd.s32 $0xFFFFC000  }
0xd1: {  	[hbm4b:s25+s2] =	stream.linear.scatter [tilespmem:s22], [sflag:$0x5], $0x4000, $0x38;
	[tilespmem:$0x1C200] =	vst v63  }
0xd2: {  	_ =	swait.ge [sflag:s24], $0x4000  }
0xd3: {  	[sflag:s24] =	ssyncset.done $0x0  }
0xd4: {  	s26 =	rddreg [dreg:$0xa];
	[sflag:s24] =	ssyncadd.s32 $0xFFFFC000  }
0xd5: {  	[hbm4b:s26+s2] =	stream.linear.scatter [tilespmem:s19], [sflag:$0xC], $0x4000, $0x38;
	[tilespmem:$0x1C200] =	vst v63  }
0xd6: {  	_ =	swait.ge [sflag:s23], $0x4000  }
0xd7: {  	[sflag:s23] =	ssyncset.done $0x0  }
0xd8: {  	s28 =	rddreg [dreg:$0xb];
	[sflag:s23] =	ssyncadd.s32 $0xFFFFC000  }
0xd9: {  	[hbm4b:s28+s2] =	stream.linear.scatter [tilespmem:s18], [sflag:$0x6], $0x4000, $0x38;
	[tilespmem:$0x1C200] =	vst v63  }
0xda: {  	_ =	swait.ge [sflag:s20], $0x4000  }
0xdb: {  	[sflag:s20] =	ssyncset.done $0x0  }
0xdc: {  	s29 =	rddreg [dreg:$0xc];
	[sflag:s20] =	ssyncadd.s32 $0xFFFFC000  }
0xdd: {  	[hbm4b:s29+s2] =	stream.linear.scatter [tilespmem:s14], [sflag:$0xD], $0x4000, $0x38;
	[tilespmem:$0x1C200] =	vst v63  }
0xde: {  	_ =	swait.ge [sflag:s13], $0x4000  }
0xdf: {  	[sflag:s13] =	ssyncset.done $0x0  }
0xe0: {  	s30 =	rddreg [dreg:$0xd];
	[sflag:s13] =	ssyncadd.s32 $0xFFFFC000  }
0xe1: {  	[hbm4b:s30+s2] =	stream.linear.scatter [tilespmem:s8], [sflag:$0x4], $0x4000, $0x38;
	[tilespmem:$0x1C200] =	vst v63  }
0xe2: {  	_ =	swait.ge [sflag:s16], $0x4000  }
0xe3: {  	[sflag:s16] =	ssyncset.done $0x0  }
0xe4: {  	[sflag:s16] =	ssyncadd.s32 $0xFFFFC000  }
0xe5: {  	[hbm4b:s6+s2] =	stream.linear.scatter [tilespmem:s9], [sflag:$0xE], $0x4000, $0x38;
	[tilespmem:$0x1C200] =	vst v63  }
0xe6: {  	_ =	swait.ge [sflag:s17], $0x4000  }
0xe7: {  	[sflag:s17] =	ssyncset.done $0x0  }
0xe8: {  	[sflag:s17] =	ssyncadd.s32 $0xFFFFC000  }
0xe9: {  	_ =	swait.ge [sflag:s15], $0x4000  }
0xea: {  	[sflag:s15] =	ssyncset.done $0x0  }
0xeb: {  	[sflag:s15] =	ssyncadd.s32 $0xFFFFC000  }
0xec: {  	_ =	swait.ge [sflag:s12], $0x4000  }
0xed: {  	[sflag:s12] =	ssyncset.done $0x0  }
0xee: {  	[sflag:s12] =	ssyncadd.s32 $0xFFFFC000  }
0xef: {  	_ =	swait.ge [sflag:s11], $0x4000  }
0xf0: {  	[sflag:s11] =	ssyncset.done $0x0  }
0xf1: {  	[sflag:s11] =	ssyncadd.s32 $0xFFFFC000  }
0xf2: {  	_ =	swait.ge [sflag:s10], $0x4000  }
0xf3: {  	[sflag:s10] =	ssyncset.done $0x0  }
0xf4: {  	[sflag:s10] =	ssyncadd.s32 $0xFFFFC000  }
0xf5: {  	_ =	swait.ge [sflag:s4], $0x4000  }
0xf6: {  	[sflag:s4] =	ssyncset.done $0x0  }
0xf7: {  	[sflag:s4] =	ssyncadd.s32 $0xFFFFC000  }
0xf8: {  	_ =	swait.ge [sflag:s7], $0x4000  }
0xf9: {  	[sflag:s7] =	ssyncset.done $0x0  }
0xfa: {  	[sflag:s7] =	ssyncadd.s32 $0xFFFFC000  }
0xfb: {  	_ =	sfence.sel $0x180000  }
0xfc: {  	[bflag:$0x0] =	sbarrier.arrive $0xFFFF  }
0xfd: {  	_ =	strace $0x90000047  }
0xfe: {  	s31 =	stileid.u32;
	[bflag:$0x2] =	sbarrier.arrive $0xFFFF  }
0xff: {  	p0 =	sne.s32 s31, $0x0;
	s0 =	rddreg [dreg:$0x5]  }
0x100: {  	s0 =	sadd.s32 @!p0 $0x100000, s0  }
0x101: {  	[sflag:s0] =	ssyncadd.tile.s32 @!p0 $0x1;
	_ =	shalt  }
.Lfunc_end2:
_tile_overlayer_lowered:
.L_overlay_start_2:
0x102: {  	(tag) =	ssettag $0x2  }
0x103: {  	s0 =	rddreg [dreg:$0x0];
	s2 =	stileid.u32  }
0x104: {  	s1 =	rddreg [dreg:$0x1];
	p0 =	sne.s32 s2, $0x0  }
0x105: {  	s3 =	rddreg [dreg:$0x2];
	[bflag:$0x3] =	sbarrier.arrive $0xFFFF;
	s2 =	simm.s32 @!p0 $0x1C0F  }
0x106: {  	[timem:s3], [sflag:s2] =	dma.local @!p0 [hbm:s0], s1  }
0x107: {  	s0 =	simm.s32 @!p0 $0xF  }
0x108: {  	_ =	swait.ge @!p0 [sflag:s0], s1  }
0x109: {  	s1 =	ssub.s32 @!p0 $0x0, s1;
	[sflag:s0] =	ssyncset.done @!p0 $0x0  }
0x10a: {  	[sflag:s0] =	ssyncadd.s32 @!p0 s1  }
0x10b: {  	[bflag:$0x3] =	sbarrier.arrive $0xFFFF  }
0x10c: {  	_ =	shalt  }

</sc_bundles>
